<compile_context>
chip_gen: v7x
topology: tpu7x:2x2x1
jax: 0.10.2.dev20260603
libtpu: 0.0.44.dev20260713+nightly
codegen_flags: <defaults>
</compile_context>

<pallas_src>
import functools

import jax
import jax.numpy as jnp
from jax import lax
from jax.experimental import pallas as pl
from jax.experimental.pallas import tpu as pltpu
from jax.experimental.pallas import tpu_sc as plsc

N_CORES = 2
N_SUBCORES = 16
N_TILES = N_CORES * N_SUBCORES
CHUNK = 128


def _linear_body(x_ref, wt_ref, b_ref, o_ref):
    o_ref[...] = (
        jnp.dot(x_ref[...], wt_ref[...], preferred_element_type=jnp.float32)
        + b_ref[...]
    )


def _combine_body(p0_ref, p1_ref, o_ref):
    o_ref[...] = p0_ref[0] + p1_ref[0]


def _make_sc_body(n_chunks, rows_per_tile, last_rows, d):
    def body(h_ref, src_ref, dst_ref, out_ref,
             src_v, dst_v, buf_a, buf_b, acc, sem_a, sem_b):
        c = lax.axis_index("c")
        s = lax.axis_index("s")
        wid = c * N_SUBCORES + s
        nh = n_chunks // 2

        def start_gather(i, buf, sem):
            pltpu.async_copy(h_ref.at[src_v.at[i]], buf, sem)

        def wait_gather(buf, sem):
            pltpu.make_async_copy(h_ref.at[pl.ds(0, CHUNK)], buf, sem).wait()

        def scatter(i, buf):
            pltpu.sync_copy(buf, acc.at[dst_v.at[i]], add=True)

        def run_half(buf_x, sem_x, buf_y, sem_y):
            def pair_step(g, carry):
                i = 2 * g
                start_gather(i + 1, buf_y, sem_y)
                wait_gather(buf_x, sem_x)
                scatter(i, buf_x)
                start_gather(i + 2, buf_x, sem_x)
                wait_gather(buf_y, sem_y)
                scatter(i + 1, buf_y)
                return carry
            lax.fori_loop(0, nh // 2 - 1, pair_step, 0)

            i = nh - 2
            start_gather(i + 1, buf_y, sem_y)
            wait_gather(buf_x, sem_x)
            scatter(i, buf_x)
            wait_gather(buf_y, sem_y)
            scatter(i + 1, buf_y)

        pltpu.sync_copy(src_ref.at[wid, pl.ds(0, nh)], src_v)
        pltpu.sync_copy(dst_ref.at[wid, pl.ds(0, nh)], dst_v)
        start_gather(0, buf_b, sem_b)

        def zrow(r, carry):
            for cc in range(d // 16):
                buf_a[r, pl.ds(cc * 16, 16)] = jnp.zeros((16,), jnp.float32)
            return carry
        lax.fori_loop(0, CHUNK, zrow, 0)

        zbase = s * rows_per_tile
        n_full = rows_per_tile // CHUNK
        rem = rows_per_tile - n_full * CHUNK
        for j in range(n_full):
            pltpu.sync_copy(buf_a, acc.at[pl.ds(zbase + j * CHUNK, CHUNK)])
        if rem:
            pltpu.sync_copy(buf_a.at[pl.ds(0, rem)],
                            acc.at[pl.ds(zbase + n_full * CHUNK, rem)])
        plsc.subcore_barrier()

        run_half(buf_b, sem_b, buf_a, sem_a)

        pltpu.sync_copy(src_ref.at[wid, pl.ds(nh, nh)], src_v)
        pltpu.sync_copy(dst_ref.at[wid, pl.ds(nh, nh)], dst_v)
        start_gather(0, buf_a, sem_a)
        run_half(buf_a, sem_a, buf_b, sem_b)
        plsc.subcore_barrier()

        wbase = s * rows_per_tile
        pltpu.sync_copy(acc.at[pl.ds(wbase, rows_per_tile)],
                        out_ref.at[c, pl.ds(wbase, rows_per_tile)])

    return body


@jax.jit
def kernel(feat, edge_index, W, b):
    n, d_in = feat.shape
    d_out = W.shape[0]
    e = edge_index.shape[1]

    row_blk = 1000
    h = pl.pallas_call(
        _linear_body,
        grid=(n // row_blk,),
        in_specs=[
            pl.BlockSpec((row_blk, d_in), lambda i: (i, 0)),
            pl.BlockSpec((d_in, d_out), lambda i: (0, 0)),
            pl.BlockSpec((1, d_out), lambda i: (0, 0)),
        ],
        out_specs=pl.BlockSpec((row_blk, d_out), lambda i: (i, 0)),
        out_shape=jax.ShapeDtypeStruct((n, d_out), jnp.float32),
    )(feat, W.T, b[None, :])

    e_per_tile = e // N_TILES
    n_chunks = -(-e_per_tile // (4 * CHUNK)) * 4
    e_pad = n_chunks * CHUNK
    pad = e_pad - e_per_tile

    src = edge_index[0].astype(jnp.int32).reshape(N_TILES, e_per_tile)
    dst = edge_index[1].astype(jnp.int32).reshape(N_TILES, e_per_tile)
    if pad:
        trash = (n + 3 * jnp.arange(N_TILES, dtype=jnp.int32)[:, None]
                 + (jnp.arange(pad, dtype=jnp.int32) % 3)[None, :])
        pad_src = ((59 * jnp.arange(N_TILES, dtype=jnp.int32)[:, None]
                    + 17 * jnp.arange(pad, dtype=jnp.int32)[None, :]) % n)
        src = jnp.concatenate([src, pad_src], axis=1)
        dst = jnp.concatenate([dst, trash], axis=1)
    src = src.reshape(N_TILES, n_chunks, CHUNK)
    dst = dst.reshape(N_TILES, n_chunks, CHUNK)

    n_acc = -(-(n + 1) // (N_SUBCORES * 8)) * N_SUBCORES * 8
    rows_per_tile = n_acc // N_SUBCORES

    sc_body = _make_sc_body(n_chunks, rows_per_tile, rows_per_tile, d_out)
    mesh = plsc.VectorSubcoreMesh(core_axis_name="c", subcore_axis_name="s")
    partials = pl.kernel(
        sc_body,
        mesh=mesh,
        out_type=jax.ShapeDtypeStruct((N_CORES, n_acc, d_out), jnp.float32),
        scratch_types=[
            pltpu.VMEM((n_chunks // 2, CHUNK), jnp.int32),
            pltpu.VMEM((n_chunks // 2, CHUNK), jnp.int32),
            pltpu.VMEM((CHUNK, d_out), jnp.float32),
            pltpu.VMEM((CHUNK, d_out), jnp.float32),
            pltpu.VMEM_SHARED((n_acc, d_out), jnp.float32),
            pltpu.SemaphoreType.DMA,
            pltpu.SemaphoreType.DMA,
        ],
    )(h, src, dst)

    out = pl.pallas_call(
        _combine_body,
        grid=(n // row_blk,),
        in_specs=[
            pl.BlockSpec((1, row_blk, d_out), lambda i: (0, i, 0)),
            pl.BlockSpec((1, row_blk, d_out), lambda i: (1, i, 0)),
        ],
        out_specs=pl.BlockSpec((row_blk, d_out), lambda i: (i, 0)),
        out_shape=jax.ShapeDtypeStruct((n, d_out), jnp.float32),
    )(partials, partials)
    return out

# --- scband reference (transcript-rebuilt; emitter-appended) ---
"""Pipeline reference for scband-mlp-gcnlayer-19172734009936 (READ-ONLY COPY).

The authoritative reference and input builder live on the scoring server;
editing this copy changes nothing except your own understanding.
"""

import jax, jax.numpy as jnp
import numpy as np

N_NODES = 10000
N_EDGES = 320000
IN_FEATS = 128
OUT_FEATS = 128


def setup_inputs(seed: int = 0) -> dict:
    key = jax.random.key(seed)
    k1, k2, k3, k4 = jax.random.split(key, 4)
    feat = jax.random.normal(k1, (N_NODES, IN_FEATS), dtype=jnp.float32)
    edge_index = jax.random.randint(k2, (2, N_EDGES), 0, N_NODES, dtype=jnp.int64)
    # Linear layer params (nn.Linear(in_feats, out_feats, bias=True))
    bound = 1.0 / np.sqrt(IN_FEATS)
    W = jax.random.uniform(k3, (OUT_FEATS, IN_FEATS), dtype=jnp.float32, minval=-bound, maxval=bound)
    b = jax.random.uniform(k4, (OUT_FEATS,), dtype=jnp.float32, minval=-bound, maxval=bound)
    return {"feat": feat, "edge_index": edge_index, "W": W, "b": b}


def reference(feat, edge_index, W, b):
    # h = self.linear(feat)
    h = feat @ W.T + b
    # GCN message passing: copy_src('h') -> sum reduce into dst nodes
    src = edge_index[0]
    dst = edge_index[1]
    msgs = jnp.take(h, src, axis=0)  # gather messages from source nodes
    out = jax.ops.segment_sum(msgs, dst, num_segments=feat.shape[0])
    # Note: leaky_relu is defined in __init__ but NOT applied in forward; faithful.
    return out

if __name__ == "__main__":
    import jax
    _d = setup_inputs()
    print(jax.jit(kernel)(*tuple(_d.values())))

</pallas_src>

<mosaic_0001>
#map = affine_map<(d0, d1) -> (0, 0)>
#map1 = affine_map<(d0, d1) -> (0, 0, 0)>
module attributes {stable_mosaic.version = 14 : i64} {
  func.func @body(%arg0: i32, %arg1: i32, %arg2: memref<10000x128xf32, #tpu.memory_space<hbm>>, %arg3: memref<32x80x128xi32, #tpu.memory_space<hbm>>, %arg4: memref<32x80x128xi32, #tpu.memory_space<hbm>>, %arg5: memref<2x10112x128xf32, #tpu.memory_space<hbm>>, %arg6: memref<40x128xi32, #tpu.memory_space<vmem>>, %arg7: memref<40x128xi32, #tpu.memory_space<vmem>>, %arg8: memref<128x128xf32, #tpu.memory_space<vmem>>, %arg9: memref<128x128xf32, #tpu.memory_space<vmem>>, %arg10: memref<10112x128xf32, #tpu.memory_space<vmem_shared>>, %arg11: memref<!tpu.dma_semaphore, #tpu.memory_space<semaphore_mem>>, %arg12: memref<!tpu.dma_semaphore, #tpu.memory_space<semaphore_mem>>) attributes {dimension_semantics = [#tpu.dimension_semantics<core_parallel>, #tpu.dimension_semantics<subcore_parallel>], iteration_bounds = array<i64: 2, 16>, scalar_prefetch = 0 : i64, scratch_operands = 7 : i64, tpu.core_type = #tpu.core_type<sc_vector_subcore>, window_params = [{transform_indices = #map}, {transform_indices = #map1}, {transform_indices = #map1}, {transform_indices = #map1}]} {
    %mul3A = arith.constant 16 : i32
    %mul3A_0 = arith.muli %arg0, %mul3A : i32
    %add3A = arith.addi %mul3A_0, %arg1 : i32
    "tpu.region"() ({
      %run_scoped3A_86 = tpu.sem_alloc : memref<!tpu.dma_semaphore, #tpu.memory_space<semaphore_mem>>
      %dma_start3A_87 = arith.constant 0 : i32
      %dma_start3A_88 = arith.constant 0 : i32
      %dma_start3A_89 = tpu.memref_slice %arg3[%add3A, %dma_start3A_87, %dma_start3A_88] : memref<32x80x128xi32, #tpu.memory_space<hbm>> -> memref<1x40x128xi32, #tpu.memory_space<hbm>>
      %dma_start3A_90 = tpu.memref_squeeze %dma_start3A_89 : memref<1x40x128xi32, #tpu.memory_space<hbm>> -> memref<40x128xi32, #tpu.memory_space<hbm>>
      %dma_start3A_91 = arith.constant 0 : i32
      %dma_start3A_92 = arith.constant 0 : i32
      %dma_start3A_93 = tpu.memref_slice %arg3[%add3A, %dma_start3A_91, %dma_start3A_92] : memref<32x80x128xi32, #tpu.memory_space<hbm>> -> memref<1x40x128xi32, #tpu.memory_space<hbm>>
      %dma_start3A_94 = tpu.memref_squeeze %dma_start3A_93 : memref<1x40x128xi32, #tpu.memory_space<hbm>> -> memref<40x128xi32, #tpu.memory_space<hbm>>
      tpu.enqueue_dma source(%dma_start3A_94 : memref<40x128xi32, #tpu.memory_space<hbm>>) target(%arg6 : memref<40x128xi32, #tpu.memory_space<vmem>>) target_semaphore(%run_scoped3A_86 : memref<!tpu.dma_semaphore, #tpu.memory_space<semaphore_mem>>)
      %dma_wait3A_95 = arith.constant 0 : i32
      %dma_wait3A_96 = arith.constant 0 : i32
      %dma_wait3A_97 = tpu.memref_slice %arg3[%add3A, %dma_wait3A_95, %dma_wait3A_96] : memref<32x80x128xi32, #tpu.memory_space<hbm>> -> memref<1x40x128xi32, #tpu.memory_space<hbm>>
      %dma_wait3A_98 = tpu.memref_squeeze %dma_wait3A_97 : memref<1x40x128xi32, #tpu.memory_space<hbm>> -> memref<40x128xi32, #tpu.memory_space<hbm>>
      %dma_wait3A_99 = arith.constant 0 : i32
      %dma_wait3A_100 = arith.constant 0 : i32
      %dma_wait3A_101 = tpu.memref_slice %arg3[%add3A, %dma_wait3A_99, %dma_wait3A_100] : memref<32x80x128xi32, #tpu.memory_space<hbm>> -> memref<1x40x128xi32, #tpu.memory_space<hbm>>
      %dma_wait3A_102 = tpu.memref_squeeze %dma_wait3A_101 : memref<1x40x128xi32, #tpu.memory_space<hbm>> -> memref<40x128xi32, #tpu.memory_space<hbm>>
      tpu.wait_dma2 semaphore(%run_scoped3A_86 : memref<!tpu.dma_semaphore, #tpu.memory_space<semaphore_mem>>) src(%dma_wait3A_102 : memref<40x128xi32, #tpu.memory_space<hbm>>) dst(%arg6 : memref<40x128xi32, #tpu.memory_space<vmem>>)
      tpu.yield
    }) : () -> ()
    "tpu.region"() ({
      %run_scoped3A_86 = tpu.sem_alloc : memref<!tpu.dma_semaphore, #tpu.memory_space<semaphore_mem>>
      %dma_start3A_87 = arith.constant 0 : i32
      %dma_start3A_88 = arith.constant 0 : i32
      %dma_start3A_89 = tpu.memref_slice %arg4[%add3A, %dma_start3A_87, %dma_start3A_88] : memref<32x80x128xi32, #tpu.memory_space<hbm>> -> memref<1x40x128xi32, #tpu.memory_space<hbm>>
      %dma_start3A_90 = tpu.memref_squeeze %dma_start3A_89 : memref<1x40x128xi32, #tpu.memory_space<hbm>> -> memref<40x128xi32, #tpu.memory_space<hbm>>
      %dma_start3A_91 = arith.constant 0 : i32
      %dma_start3A_92 = arith.constant 0 : i32
      %dma_start3A_93 = tpu.memref_slice %arg4[%add3A, %dma_start3A_91, %dma_start3A_92] : memref<32x80x128xi32, #tpu.memory_space<hbm>> -> memref<1x40x128xi32, #tpu.memory_space<hbm>>
      %dma_start3A_94 = tpu.memref_squeeze %dma_start3A_93 : memref<1x40x128xi32, #tpu.memory_space<hbm>> -> memref<40x128xi32, #tpu.memory_space<hbm>>
      tpu.enqueue_dma source(%dma_start3A_94 : memref<40x128xi32, #tpu.memory_space<hbm>>) target(%arg7 : memref<40x128xi32, #tpu.memory_space<vmem>>) target_semaphore(%run_scoped3A_86 : memref<!tpu.dma_semaphore, #tpu.memory_space<semaphore_mem>>)
      %dma_wait3A_95 = arith.constant 0 : i32
      %dma_wait3A_96 = arith.constant 0 : i32
      %dma_wait3A_97 = tpu.memref_slice %arg4[%add3A, %dma_wait3A_95, %dma_wait3A_96] : memref<32x80x128xi32, #tpu.memory_space<hbm>> -> memref<1x40x128xi32, #tpu.memory_space<hbm>>
      %dma_wait3A_98 = tpu.memref_squeeze %dma_wait3A_97 : memref<1x40x128xi32, #tpu.memory_space<hbm>> -> memref<40x128xi32, #tpu.memory_space<hbm>>
      %dma_wait3A_99 = arith.constant 0 : i32
      %dma_wait3A_100 = arith.constant 0 : i32
      %dma_wait3A_101 = tpu.memref_slice %arg4[%add3A, %dma_wait3A_99, %dma_wait3A_100] : memref<32x80x128xi32, #tpu.memory_space<hbm>> -> memref<1x40x128xi32, #tpu.memory_space<hbm>>
      %dma_wait3A_102 = tpu.memref_squeeze %dma_wait3A_101 : memref<1x40x128xi32, #tpu.memory_space<hbm>> -> memref<40x128xi32, #tpu.memory_space<hbm>>
      tpu.wait_dma2 semaphore(%run_scoped3A_86 : memref<!tpu.dma_semaphore, #tpu.memory_space<semaphore_mem>>) src(%dma_wait3A_102 : memref<40x128xi32, #tpu.memory_space<hbm>>) dst(%arg7 : memref<40x128xi32, #tpu.memory_space<vmem>>)
      tpu.yield
    }) : () -> ()
    %dma_start3A = arith.constant 0 : i32
    %dma_start3A_1 = arith.constant 0 : i32
    %dma_start3A_2 = tpu.memref_slice %arg6[%dma_start3A, %dma_start3A_1] : memref<40x128xi32, #tpu.memory_space<vmem>> -> memref<1x128xi32, #tpu.memory_space<vmem>>
    %dma_start3A_3 = tpu.memref_squeeze %dma_start3A_2 : memref<1x128xi32, #tpu.memory_space<vmem>> -> memref<128xi32, #tpu.memory_space<vmem>>
    %dma_start3A_4 = arith.constant 0 : i32
    %dma_start3A_5 = arith.constant 0 : i32
    %dma_start3A_6 = tpu.memref_slice %arg2[%dma_start3A_4, %dma_start3A_5] : memref<10000x128xf32, #tpu.memory_space<hbm>> -> memref<10000x128xf32, #tpu.memory_space<hbm>>
    tpu.enqueue_indirect_dma source(%dma_start3A_6 : memref<10000x128xf32, #tpu.memory_space<hbm>>) target(%arg9 : memref<128x128xf32, #tpu.memory_space<vmem>>) offsets(%dma_start3A_3 : memref<128xi32, #tpu.memory_space<vmem>>) semaphore(%arg12 : memref<!tpu.dma_semaphore, #tpu.memory_space<semaphore_mem>>)
    %scan3A = arith.constant 0 : i32
    %scan3A_7 = arith.constant 0 : i32
    %scan3A_8 = arith.constant 128 : i32
    %scan3A_9 = arith.addi %scan3A_7, %scan3A_8 : i32
    %scan3A_10 = arith.constant 1 : i32
    scf.for %scan3A_86 = %scan3A_7 to %scan3A_9 step %scan3A_10  : i32 {
      %broadcast_in_dim3A = arith.constant 0.000000e+00 : f32
      %broadcast_in_dim3A_87 = vector.broadcast %broadcast_in_dim3A : f32 to vector<16xf32>
      %swap3A = arith.index_cast %scan3A_86 : i32 to index
      %swap3A_88 = arith.constant 0 : index
      %swap3A_89 = tpu.vector_load %arg8[%swap3A, %swap3A_88] {strides = array<i32>} : memref<128x128xf32, #tpu.memory_space<vmem>>, vector<1x16xf32>,
      %swap3A_90 = vector.shape_cast %swap3A_89 : vector<1x16xf32> to vector<16xf32>
      %swap3A_91 = vector.shape_cast %broadcast_in_dim3A_87 : vector<16xf32> to vector<1x16xf32>
      tpu.vector_store %arg8[%swap3A, %swap3A_88], %swap3A_91 {strides = array<i32>} : memref<128x128xf32, #tpu.memory_space<vmem>>, vector<1x16xf32>,
      %broadcast_in_dim3A_92 = arith.constant 0.000000e+00 : f32
      %broadcast_in_dim3A_93 = vector.broadcast %broadcast_in_dim3A_92 : f32 to vector<16xf32>
      %swap3A_94 = arith.index_cast %scan3A_86 : i32 to index
      %swap3A_95 = arith.constant 16 : index
      %swap3A_96 = tpu.vector_load %arg8[%swap3A_94, %swap3A_95] {strides = array<i32>} : memref<128x128xf32, #tpu.memory_space<vmem>>, vector<1x16xf32>,
      %swap3A_97 = vector.shape_cast %swap3A_96 : vector<1x16xf32> to vector<16xf32>
      %swap3A_98 = vector.shape_cast %broadcast_in_dim3A_93 : vector<16xf32> to vector<1x16xf32>
      tpu.vector_store %arg8[%swap3A_94, %swap3A_95], %swap3A_98 {strides = array<i32>} : memref<128x128xf32, #tpu.memory_space<vmem>>, vector<1x16xf32>,
      %broadcast_in_dim3A_99 = arith.constant 0.000000e+00 : f32
      %broadcast_in_dim3A_100 = vector.broadcast %broadcast_in_dim3A_99 : f32 to vector<16xf32>
      %swap3A_101 = arith.index_cast %scan3A_86 : i32 to index
      %swap3A_102 = arith.constant 32 : index
      %swap3A_103 = tpu.vector_load %arg8[%swap3A_101, %swap3A_102] {strides = array<i32>} : memref<128x128xf32, #tpu.memory_space<vmem>>, vector<1x16xf32>,
      %swap3A_104 = vector.shape_cast %swap3A_103 : vector<1x16xf32> to vector<16xf32>
      %swap3A_105 = vector.shape_cast %broadcast_in_dim3A_100 : vector<16xf32> to vector<1x16xf32>
      tpu.vector_store %arg8[%swap3A_101, %swap3A_102], %swap3A_105 {strides = array<i32>} : memref<128x128xf32, #tpu.memory_space<vmem>>, vector<1x16xf32>,
      %broadcast_in_dim3A_106 = arith.constant 0.000000e+00 : f32
      %broadcast_in_dim3A_107 = vector.broadcast %broadcast_in_dim3A_106 : f32 to vector<16xf32>
      %swap3A_108 = arith.index_cast %scan3A_86 : i32 to index
      %swap3A_109 = arith.constant 48 : index
      %swap3A_110 = tpu.vector_load %arg8[%swap3A_108, %swap3A_109] {strides = array<i32>} : memref<128x128xf32, #tpu.memory_space<vmem>>, vector<1x16xf32>,
      %swap3A_111 = vector.shape_cast %swap3A_110 : vector<1x16xf32> to vector<16xf32>
      %swap3A_112 = vector.shape_cast %broadcast_in_dim3A_107 : vector<16xf32> to vector<1x16xf32>
      tpu.vector_store %arg8[%swap3A_108, %swap3A_109], %swap3A_112 {strides = array<i32>} : memref<128x128xf32, #tpu.memory_space<vmem>>, vector<1x16xf32>,
      %broadcast_in_dim3A_113 = arith.constant 0.000000e+00 : f32
      %broadcast_in_dim3A_114 = vector.broadcast %broadcast_in_dim3A_113 : f32 to vector<16xf32>
      %swap3A_115 = arith.index_cast %scan3A_86 : i32 to index
      %swap3A_116 = arith.constant 64 : index
      %swap3A_117 = tpu.vector_load %arg8[%swap3A_115, %swap3A_116] {strides = array<i32>} : memref<128x128xf32, #tpu.memory_space<vmem>>, vector<1x16xf32>,
      %swap3A_118 = vector.shape_cast %swap3A_117 : vector<1x16xf32> to vector<16xf32>
      %swap3A_119 = vector.shape_cast %broadcast_in_dim3A_114 : vector<16xf32> to vector<1x16xf32>
      tpu.vector_store %arg8[%swap3A_115, %swap3A_116], %swap3A_119 {strides = array<i32>} : memref<128x128xf32, #tpu.memory_space<vmem>>, vector<1x16xf32>,
      %broadcast_in_dim3A_120 = arith.constant 0.000000e+00 : f32
      %broadcast_in_dim3A_121 = vector.broadcast %broadcast_in_dim3A_120 : f32 to vector<16xf32>
      %swap3A_122 = arith.index_cast %scan3A_86 : i32 to index
      %swap3A_123 = arith.constant 80 : index
      %swap3A_124 = tpu.vector_load %arg8[%swap3A_122, %swap3A_123] {strides = array<i32>} : memref<128x128xf32, #tpu.memory_space<vmem>>, vector<1x16xf32>,
      %swap3A_125 = vector.shape_cast %swap3A_124 : vector<1x16xf32> to vector<16xf32>
      %swap3A_126 = vector.shape_cast %broadcast_in_dim3A_121 : vector<16xf32> to vector<1x16xf32>
      tpu.vector_store %arg8[%swap3A_122, %swap3A_123], %swap3A_126 {strides = array<i32>} : memref<128x128xf32, #tpu.memory_space<vmem>>, vector<1x16xf32>,
      %broadcast_in_dim3A_127 = arith.constant 0.000000e+00 : f32
      %broadcast_in_dim3A_128 = vector.broadcast %broadcast_in_dim3A_127 : f32 to vector<16xf32>
      %swap3A_129 = arith.index_cast %scan3A_86 : i32 to index
      %swap3A_130 = arith.constant 96 : index
      %swap3A_131 = tpu.vector_load %arg8[%swap3A_129, %swap3A_130] {strides = array<i32>} : memref<128x128xf32, #tpu.memory_space<vmem>>, vector<1x16xf32>,
      %swap3A_132 = vector.shape_cast %swap3A_131 : vector<1x16xf32> to vector<16xf32>
      %swap3A_133 = vector.shape_cast %broadcast_in_dim3A_128 : vector<16xf32> to vector<1x16xf32>
      tpu.vector_store %arg8[%swap3A_129, %swap3A_130], %swap3A_133 {strides = array<i32>} : memref<128x128xf32, #tpu.memory_space<vmem>>, vector<1x16xf32>,
      %broadcast_in_dim3A_134 = arith.constant 0.000000e+00 : f32
      %broadcast_in_dim3A_135 = vector.broadcast %broadcast_in_dim3A_134 : f32 to vector<16xf32>
      %swap3A_136 = arith.index_cast %scan3A_86 : i32 to index
      %swap3A_137 = arith.constant 112 : index
      %swap3A_138 = tpu.vector_load %arg8[%swap3A_136, %swap3A_137] {strides = array<i32>} : memref<128x128xf32, #tpu.memory_space<vmem>>, vector<1x16xf32>,
      %swap3A_139 = vector.shape_cast %swap3A_138 : vector<1x16xf32> to vector<16xf32>
      %swap3A_140 = vector.shape_cast %broadcast_in_dim3A_135 : vector<16xf32> to vector<1x16xf32>
      tpu.vector_store %arg8[%swap3A_136, %swap3A_137], %swap3A_140 {strides = array<i32>} : memref<128x128xf32, #tpu.memory_space<vmem>>, vector<1x16xf32>,
    }
    %scan3A_11 = arith.constant 128 : i32
    %mul3A_12 = arith.constant 632 : i32
    %mul3A_13 = arith.muli %arg1, %mul3A_12 : i32
    %add3A_14 = arith.constant 0 : i32
    %add3A_15 = arith.addi %mul3A_13, %add3A_14 : i32
    "tpu.region"() ({
      %run_scoped3A_86 = tpu.sem_alloc : memref<!tpu.dma_semaphore, #tpu.memory_space<semaphore_mem>>
      %dma_start3A_87 = arith.constant 0 : i32
      %dma_start3A_88 = tpu.memref_slice %arg10[%add3A_15, %dma_start3A_87] : memref<10112x128xf32, #tpu.memory_space<vmem_shared>> -> memref<128x128xf32, #tpu.memory_space<vmem_shared>>
      %dma_start3A_89 = arith.constant 0 : i32
      %dma_start3A_90 = tpu.memref_slice %arg10[%add3A_15, %dma_start3A_89] : memref<10112x128xf32, #tpu.memory_space<vmem_shared>> -> memref<128x128xf32, #tpu.memory_space<vmem_shared>>
      tpu.enqueue_dma source(%arg8 : memref<128x128xf32, #tpu.memory_space<vmem>>) target(%dma_start3A_90 : memref<128x128xf32, #tpu.memory_space<vmem_shared>>) target_semaphore(%run_scoped3A_86 : memref<!tpu.dma_semaphore, #tpu.memory_space<semaphore_mem>>)
      %dma_wait3A_91 = arith.constant 0 : i32
      %dma_wait3A_92 = tpu.memref_slice %arg10[%add3A_15, %dma_wait3A_91] : memref<10112x128xf32, #tpu.memory_space<vmem_shared>> -> memref<128x128xf32, #tpu.memory_space<vmem_shared>>
      %dma_wait3A_93 = arith.constant 0 : i32
      %dma_wait3A_94 = tpu.memref_slice %arg10[%add3A_15, %dma_wait3A_93] : memref<10112x128xf32, #tpu.memory_space<vmem_shared>> -> memref<128x128xf32, #tpu.memory_space<vmem_shared>>
      tpu.wait_dma2 semaphore(%run_scoped3A_86 : memref<!tpu.dma_semaphore, #tpu.memory_space<semaphore_mem>>) src(%arg8 : memref<128x128xf32, #tpu.memory_space<vmem>>) dst(%dma_wait3A_94 : memref<128x128xf32, #tpu.memory_space<vmem_shared>>)
      tpu.yield
    }) : () -> ()
    %add3A_16 = arith.constant 128 : i32
    %add3A_17 = arith.addi %mul3A_13, %add3A_16 : i32
    "tpu.region"() ({
      %run_scoped3A_86 = tpu.sem_alloc : memref<!tpu.dma_semaphore, #tpu.memory_space<semaphore_mem>>
      %dma_start3A_87 = arith.constant 0 : i32
      %dma_start3A_88 = tpu.memref_slice %arg10[%add3A_17, %dma_start3A_87] : memref<10112x128xf32, #tpu.memory_space<vmem_shared>> -> memref<128x128xf32, #tpu.memory_space<vmem_shared>>
      %dma_start3A_89 = arith.constant 0 : i32
      %dma_start3A_90 = tpu.memref_slice %arg10[%add3A_17, %dma_start3A_89] : memref<10112x128xf32, #tpu.memory_space<vmem_shared>> -> memref<128x128xf32, #tpu.memory_space<vmem_shared>>
      tpu.enqueue_dma source(%arg8 : memref<128x128xf32, #tpu.memory_space<vmem>>) target(%dma_start3A_90 : memref<128x128xf32, #tpu.memory_space<vmem_shared>>) target_semaphore(%run_scoped3A_86 : memref<!tpu.dma_semaphore, #tpu.memory_space<semaphore_mem>>)
      %dma_wait3A_91 = arith.constant 0 : i32
      %dma_wait3A_92 = tpu.memref_slice %arg10[%add3A_17, %dma_wait3A_91] : memref<10112x128xf32, #tpu.memory_space<vmem_shared>> -> memref<128x128xf32, #tpu.memory_space<vmem_shared>>
      %dma_wait3A_93 = arith.constant 0 : i32
      %dma_wait3A_94 = tpu.memref_slice %arg10[%add3A_17, %dma_wait3A_93] : memref<10112x128xf32, #tpu.memory_space<vmem_shared>> -> memref<128x128xf32, #tpu.memory_space<vmem_shared>>
      tpu.wait_dma2 semaphore(%run_scoped3A_86 : memref<!tpu.dma_semaphore, #tpu.memory_space<semaphore_mem>>) src(%arg8 : memref<128x128xf32, #tpu.memory_space<vmem>>) dst(%dma_wait3A_94 : memref<128x128xf32, #tpu.memory_space<vmem_shared>>)
      tpu.yield
    }) : () -> ()
    %add3A_18 = arith.constant 256 : i32
    %add3A_19 = arith.addi %mul3A_13, %add3A_18 : i32
    "tpu.region"() ({
      %run_scoped3A_86 = tpu.sem_alloc : memref<!tpu.dma_semaphore, #tpu.memory_space<semaphore_mem>>
      %dma_start3A_87 = arith.constant 0 : i32
      %dma_start3A_88 = tpu.memref_slice %arg10[%add3A_19, %dma_start3A_87] : memref<10112x128xf32, #tpu.memory_space<vmem_shared>> -> memref<128x128xf32, #tpu.memory_space<vmem_shared>>
      %dma_start3A_89 = arith.constant 0 : i32
      %dma_start3A_90 = tpu.memref_slice %arg10[%add3A_19, %dma_start3A_89] : memref<10112x128xf32, #tpu.memory_space<vmem_shared>> -> memref<128x128xf32, #tpu.memory_space<vmem_shared>>
      tpu.enqueue_dma source(%arg8 : memref<128x128xf32, #tpu.memory_space<vmem>>) target(%dma_start3A_90 : memref<128x128xf32, #tpu.memory_space<vmem_shared>>) target_semaphore(%run_scoped3A_86 : memref<!tpu.dma_semaphore, #tpu.memory_space<semaphore_mem>>)
      %dma_wait3A_91 = arith.constant 0 : i32
      %dma_wait3A_92 = tpu.memref_slice %arg10[%add3A_19, %dma_wait3A_91] : memref<10112x128xf32, #tpu.memory_space<vmem_shared>> -> memref<128x128xf32, #tpu.memory_space<vmem_shared>>
      %dma_wait3A_93 = arith.constant 0 : i32
      %dma_wait3A_94 = tpu.memref_slice %arg10[%add3A_19, %dma_wait3A_93] : memref<10112x128xf32, #tpu.memory_space<vmem_shared>> -> memref<128x128xf32, #tpu.memory_space<vmem_shared>>
      tpu.wait_dma2 semaphore(%run_scoped3A_86 : memref<!tpu.dma_semaphore, #tpu.memory_space<semaphore_mem>>) src(%arg8 : memref<128x128xf32, #tpu.memory_space<vmem>>) dst(%dma_wait3A_94 : memref<128x128xf32, #tpu.memory_space<vmem_shared>>)
      tpu.yield
    }) : () -> ()
    %add3A_20 = arith.constant 384 : i32
    %add3A_21 = arith.addi %mul3A_13, %add3A_20 : i32
    "tpu.region"() ({
      %run_scoped3A_86 = tpu.sem_alloc : memref<!tpu.dma_semaphore, #tpu.memory_space<semaphore_mem>>
      %dma_start3A_87 = arith.constant 0 : i32
      %dma_start3A_88 = tpu.memref_slice %arg10[%add3A_21, %dma_start3A_87] : memref<10112x128xf32, #tpu.memory_space<vmem_shared>> -> memref<128x128xf32, #tpu.memory_space<vmem_shared>>
      %dma_start3A_89 = arith.constant 0 : i32
      %dma_start3A_90 = tpu.memref_slice %arg10[%add3A_21, %dma_start3A_89] : memref<10112x128xf32, #tpu.memory_space<vmem_shared>> -> memref<128x128xf32, #tpu.memory_space<vmem_shared>>
      tpu.enqueue_dma source(%arg8 : memref<128x128xf32, #tpu.memory_space<vmem>>) target(%dma_start3A_90 : memref<128x128xf32, #tpu.memory_space<vmem_shared>>) target_semaphore(%run_scoped3A_86 : memref<!tpu.dma_semaphore, #tpu.memory_space<semaphore_mem>>)
      %dma_wait3A_91 = arith.constant 0 : i32
      %dma_wait3A_92 = tpu.memref_slice %arg10[%add3A_21, %dma_wait3A_91] : memref<10112x128xf32, #tpu.memory_space<vmem_shared>> -> memref<128x128xf32, #tpu.memory_space<vmem_shared>>
      %dma_wait3A_93 = arith.constant 0 : i32
      %dma_wait3A_94 = tpu.memref_slice %arg10[%add3A_21, %dma_wait3A_93] : memref<10112x128xf32, #tpu.memory_space<vmem_shared>> -> memref<128x128xf32, #tpu.memory_space<vmem_shared>>
      tpu.wait_dma2 semaphore(%run_scoped3A_86 : memref<!tpu.dma_semaphore, #tpu.memory_space<semaphore_mem>>) src(%arg8 : memref<128x128xf32, #tpu.memory_space<vmem>>) dst(%dma_wait3A_94 : memref<128x128xf32, #tpu.memory_space<vmem_shared>>)
      tpu.yield
    }) : () -> ()
    %add3A_22 = arith.constant 512 : i32
    %add3A_23 = arith.addi %mul3A_13, %add3A_22 : i32
    "tpu.region"() ({
      %run_scoped3A_86 = tpu.sem_alloc : memref<!tpu.dma_semaphore, #tpu.memory_space<semaphore_mem>>
      %dma_start3A_87 = arith.constant 0 : i32
      %dma_start3A_88 = arith.constant 0 : i32
      %dma_start3A_89 = tpu.memref_slice %arg8[%dma_start3A_87, %dma_start3A_88] : memref<128x128xf32, #tpu.memory_space<vmem>> -> memref<120x128xf32, #tpu.memory_space<vmem>>
      %dma_start3A_90 = arith.constant 0 : i32
      %dma_start3A_91 = tpu.memref_slice %arg10[%add3A_23, %dma_start3A_90] : memref<10112x128xf32, #tpu.memory_space<vmem_shared>> -> memref<120x128xf32, #tpu.memory_space<vmem_shared>>
      %dma_start3A_92 = arith.constant 0 : i32
      %dma_start3A_93 = tpu.memref_slice %arg10[%add3A_23, %dma_start3A_92] : memref<10112x128xf32, #tpu.memory_space<vmem_shared>> -> memref<120x128xf32, #tpu.memory_space<vmem_shared>>
      %dma_start3A_94 = arith.constant 0 : i32
      %dma_start3A_95 = arith.constant 0 : i32
      %dma_start3A_96 = tpu.memref_slice %arg8[%dma_start3A_94, %dma_start3A_95] : memref<128x128xf32, #tpu.memory_space<vmem>> -> memref<120x128xf32, #tpu.memory_space<vmem>>
      tpu.enqueue_dma source(%dma_start3A_96 : memref<120x128xf32, #tpu.memory_space<vmem>>) target(%dma_start3A_93 : memref<120x128xf32, #tpu.memory_space<vmem_shared>>) target_semaphore(%run_scoped3A_86 : memref<!tpu.dma_semaphore, #tpu.memory_space<semaphore_mem>>)
      %dma_wait3A_97 = arith.constant 0 : i32
      %dma_wait3A_98 = arith.constant 0 : i32
      %dma_wait3A_99 = tpu.memref_slice %arg8[%dma_wait3A_97, %dma_wait3A_98] : memref<128x128xf32, #tpu.memory_space<vmem>> -> memref<120x128xf32, #tpu.memory_space<vmem>>
      %dma_wait3A_100 = arith.constant 0 : i32
      %dma_wait3A_101 = tpu.memref_slice %arg10[%add3A_23, %dma_wait3A_100] : memref<10112x128xf32, #tpu.memory_space<vmem_shared>> -> memref<120x128xf32, #tpu.memory_space<vmem_shared>>
      %dma_wait3A_102 = arith.constant 0 : i32
      %dma_wait3A_103 = tpu.memref_slice %arg10[%add3A_23, %dma_wait3A_102] : memref<10112x128xf32, #tpu.memory_space<vmem_shared>> -> memref<120x128xf32, #tpu.memory_space<vmem_shared>>
      %dma_wait3A_104 = arith.constant 0 : i32
      %dma_wait3A_105 = arith.constant 0 : i32
      %dma_wait3A_106 = tpu.memref_slice %arg8[%dma_wait3A_104, %dma_wait3A_105] : memref<128x128xf32, #tpu.memory_space<vmem>> -> memref<120x128xf32, #tpu.memory_space<vmem>>
      tpu.wait_dma2 semaphore(%run_scoped3A_86 : memref<!tpu.dma_semaphore, #tpu.memory_space<semaphore_mem>>) src(%dma_wait3A_106 : memref<120x128xf32, #tpu.memory_space<vmem>>) dst(%dma_wait3A_103 : memref<120x128xf32, #tpu.memory_space<vmem_shared>>)
      tpu.yield
    }) : () -> ()
    %barrier3A = arith.constant 0 : index
    tpu.barrier barrier_id(%barrier3A)
    %scan3A_24 = arith.constant 0 : i32
    %scan3A_25 = arith.constant 0 : i32
    %scan3A_26 = arith.constant 19 : i32
    %scan3A_27 = arith.addi %scan3A_25, %scan3A_26 : i32
    %scan3A_28 = arith.constant 1 : i32
    scf.for %scan3A_86 = %scan3A_25 to %scan3A_27 step %scan3A_28  : i32 {
      %mul3A_87 = arith.constant 2 : i32
      %mul3A_88 = arith.muli %mul3A_87, %scan3A_86 : i32
      %add3A_89 = arith.constant 1 : i32
      %add3A_90 = arith.addi %mul3A_88, %add3A_89 : i32
      %dma_start3A_91 = arith.constant 0 : i32
      %dma_start3A_92 = tpu.memref_slice %arg6[%add3A_90, %dma_start3A_91] : memref<40x128xi32, #tpu.memory_space<vmem>> -> memref<1x128xi32, #tpu.memory_space<vmem>>
      %dma_start3A_93 = tpu.memref_squeeze %dma_start3A_92 : memref<1x128xi32, #tpu.memory_space<vmem>> -> memref<128xi32, #tpu.memory_space<vmem>>
      %dma_start3A_94 = arith.constant 0 : i32
      %dma_start3A_95 = arith.constant 0 : i32
      %dma_start3A_96 = tpu.memref_slice %arg2[%dma_start3A_94, %dma_start3A_95] : memref<10000x128xf32, #tpu.memory_space<hbm>> -> memref<10000x128xf32, #tpu.memory_space<hbm>>
      tpu.enqueue_indirect_dma source(%dma_start3A_96 : memref<10000x128xf32, #tpu.memory_space<hbm>>) target(%arg8 : memref<128x128xf32, #tpu.memory_space<vmem>>) offsets(%dma_start3A_93 : memref<128xi32, #tpu.memory_space<vmem>>) semaphore(%arg11 : memref<!tpu.dma_semaphore, #tpu.memory_space<semaphore_mem>>)
      %dma_wait3A_97 = arith.constant 0 : i32
      %dma_wait3A_98 = arith.constant 0 : i32
      %dma_wait3A_99 = tpu.memref_slice %arg2[%dma_wait3A_97, %dma_wait3A_98] : memref<10000x128xf32, #tpu.memory_space<hbm>> -> memref<128x128xf32, #tpu.memory_space<hbm>>
      %dma_wait3A_100 = arith.constant 0 : i32
      %dma_wait3A_101 = arith.constant 0 : i32
      %dma_wait3A_102 = tpu.memref_slice %arg2[%dma_wait3A_100, %dma_wait3A_101] : memref<10000x128xf32, #tpu.memory_space<hbm>> -> memref<128x128xf32, #tpu.memory_space<hbm>>
      tpu.wait_dma2 semaphore(%arg12 : memref<!tpu.dma_semaphore, #tpu.memory_space<semaphore_mem>>) src(%dma_wait3A_102 : memref<128x128xf32, #tpu.memory_space<hbm>>) dst(%arg9 : memref<128x128xf32, #tpu.memory_space<vmem>>)
      "tpu.region"() ({
        %run_scoped3A_119 = tpu.sem_alloc : memref<!tpu.dma_semaphore, #tpu.memory_space<semaphore_mem>>
        %dma_start3A_120 = arith.constant 0 : i32
        %dma_start3A_121 = tpu.memref_slice %arg7[%mul3A_88, %dma_start3A_120] : memref<40x128xi32, #tpu.memory_space<vmem>> -> memref<1x128xi32, #tpu.memory_space<vmem>>
        %dma_start3A_122 = tpu.memref_squeeze %dma_start3A_121 : memref<1x128xi32, #tpu.memory_space<vmem>> -> memref<128xi32, #tpu.memory_space<vmem>>
        %dma_start3A_123 = arith.constant 0 : i32
        %dma_start3A_124 = arith.constant 0 : i32
        %dma_start3A_125 = tpu.memref_slice %arg10[%dma_start3A_123, %dma_start3A_124] : memref<10112x128xf32, #tpu.memory_space<vmem_shared>> -> memref<10112x128xf32, #tpu.memory_space<vmem_shared>>
        tpu.enqueue_indirect_dma source(%arg9 : memref<128x128xf32, #tpu.memory_space<vmem>>) target(%dma_start3A_125 : memref<10112x128xf32, #tpu.memory_space<vmem_shared>>) offsets(%dma_start3A_122 : memref<128xi32, #tpu.memory_space<vmem>>) semaphore(%run_scoped3A_119 : memref<!tpu.dma_semaphore, #tpu.memory_space<semaphore_mem>>) {add = true}
        %dma_wait3A_126 = arith.constant 0 : i32
        %dma_wait3A_127 = tpu.memref_slice %arg7[%mul3A_88, %dma_wait3A_126] : memref<40x128xi32, #tpu.memory_space<vmem>> -> memref<1x128xi32, #tpu.memory_space<vmem>>
        %dma_wait3A_128 = tpu.memref_squeeze %dma_wait3A_127 : memref<1x128xi32, #tpu.memory_space<vmem>> -> memref<128xi32, #tpu.memory_space<vmem>>
        %dma_wait3A_129 = arith.constant 0 : i32
        %dma_wait3A_130 = arith.constant 0 : i32
        %dma_wait3A_131 = tpu.memref_slice %arg10[%dma_wait3A_129, %dma_wait3A_130] : memref<10112x128xf32, #tpu.memory_space<vmem_shared>> -> memref<10112x128xf32, #tpu.memory_space<vmem_shared>>
        tpu.wait_indirect_dma semaphore(%run_scoped3A_119 : memref<!tpu.dma_semaphore, #tpu.memory_space<semaphore_mem>>) src(%arg9 : memref<128x128xf32, #tpu.memory_space<vmem>>) dst(%dma_wait3A_131 : memref<10112x128xf32, #tpu.memory_space<vmem_shared>>)
        tpu.yield
      }) : () -> ()
      %add3A_103 = arith.constant 2 : i32
      %add3A_104 = arith.addi %mul3A_88, %add3A_103 : i32
      %dma_start3A_105 = arith.constant 0 : i32
      %dma_start3A_106 = tpu.memref_slice %arg6[%add3A_104, %dma_start3A_105] : memref<40x128xi32, #tpu.memory_space<vmem>> -> memref<1x128xi32, #tpu.memory_space<vmem>>
      %dma_start3A_107 = tpu.memref_squeeze %dma_start3A_106 : memref<1x128xi32, #tpu.memory_space<vmem>> -> memref<128xi32, #tpu.memory_space<vmem>>
      %dma_start3A_108 = arith.constant 0 : i32
      %dma_start3A_109 = arith.constant 0 : i32
      %dma_start3A_110 = tpu.memref_slice %arg2[%dma_start3A_108, %dma_start3A_109] : memref<10000x128xf32, #tpu.memory_space<hbm>> -> memref<10000x128xf32, #tpu.memory_space<hbm>>
      tpu.enqueue_indirect_dma source(%dma_start3A_110 : memref<10000x128xf32, #tpu.memory_space<hbm>>) target(%arg9 : memref<128x128xf32, #tpu.memory_space<vmem>>) offsets(%dma_start3A_107 : memref<128xi32, #tpu.memory_space<vmem>>) semaphore(%arg12 : memref<!tpu.dma_semaphore, #tpu.memory_space<semaphore_mem>>)
      %dma_wait3A_111 = arith.constant 0 : i32
      %dma_wait3A_112 = arith.constant 0 : i32
      %dma_wait3A_113 = tpu.memref_slice %arg2[%dma_wait3A_111, %dma_wait3A_112] : memref<10000x128xf32, #tpu.memory_space<hbm>> -> memref<128x128xf32, #tpu.memory_space<hbm>>
      %dma_wait3A_114 = arith.constant 0 : i32
      %dma_wait3A_115 = arith.constant 0 : i32
      %dma_wait3A_116 = tpu.memref_slice %arg2[%dma_wait3A_114, %dma_wait3A_115] : memref<10000x128xf32, #tpu.memory_space<hbm>> -> memref<128x128xf32, #tpu.memory_space<hbm>>
      tpu.wait_dma2 semaphore(%arg11 : memref<!tpu.dma_semaphore, #tpu.memory_space<semaphore_mem>>) src(%dma_wait3A_116 : memref<128x128xf32, #tpu.memory_space<hbm>>) dst(%arg8 : memref<128x128xf32, #tpu.memory_space<vmem>>)
      %add3A_117 = arith.constant 1 : i32
      %add3A_118 = arith.addi %mul3A_88, %add3A_117 : i32
      "tpu.region"() ({
        %run_scoped3A_119 = tpu.sem_alloc : memref<!tpu.dma_semaphore, #tpu.memory_space<semaphore_mem>>
        %dma_start3A_120 = arith.constant 0 : i32
        %dma_start3A_121 = tpu.memref_slice %arg7[%add3A_118, %dma_start3A_120] : memref<40x128xi32, #tpu.memory_space<vmem>> -> memref<1x128xi32, #tpu.memory_space<vmem>>
        %dma_start3A_122 = tpu.memref_squeeze %dma_start3A_121 : memref<1x128xi32, #tpu.memory_space<vmem>> -> memref<128xi32, #tpu.memory_space<vmem>>
        %dma_start3A_123 = arith.constant 0 : i32
        %dma_start3A_124 = arith.constant 0 : i32
        %dma_start3A_125 = tpu.memref_slice %arg10[%dma_start3A_123, %dma_start3A_124] : memref<10112x128xf32, #tpu.memory_space<vmem_shared>> -> memref<10112x128xf32, #tpu.memory_space<vmem_shared>>
        tpu.enqueue_indirect_dma source(%arg8 : memref<128x128xf32, #tpu.memory_space<vmem>>) target(%dma_start3A_125 : memref<10112x128xf32, #tpu.memory_space<vmem_shared>>) offsets(%dma_start3A_122 : memref<128xi32, #tpu.memory_space<vmem>>) semaphore(%run_scoped3A_119 : memref<!tpu.dma_semaphore, #tpu.memory_space<semaphore_mem>>) {add = true}
        %dma_wait3A_126 = arith.constant 0 : i32
        %dma_wait3A_127 = tpu.memref_slice %arg7[%add3A_118, %dma_wait3A_126] : memref<40x128xi32, #tpu.memory_space<vmem>> -> memref<1x128xi32, #tpu.memory_space<vmem>>
        %dma_wait3A_128 = tpu.memref_squeeze %dma_wait3A_127 : memref<1x128xi32, #tpu.memory_space<vmem>> -> memref<128xi32, #tpu.memory_space<vmem>>
        %dma_wait3A_129 = arith.constant 0 : i32
        %dma_wait3A_130 = arith.constant 0 : i32
        %dma_wait3A_131 = tpu.memref_slice %arg10[%dma_wait3A_129, %dma_wait3A_130] : memref<10112x128xf32, #tpu.memory_space<vmem_shared>> -> memref<10112x128xf32, #tpu.memory_space<vmem_shared>>
        tpu.wait_indirect_dma semaphore(%run_scoped3A_119 : memref<!tpu.dma_semaphore, #tpu.memory_space<semaphore_mem>>) src(%arg8 : memref<128x128xf32, #tpu.memory_space<vmem>>) dst(%dma_wait3A_131 : memref<10112x128xf32, #tpu.memory_space<vmem_shared>>)
        tpu.yield
      }) : () -> ()
    }
    %scan3A_29 = arith.constant 19 : i32
    %dma_start3A_30 = arith.constant 39 : i32
    %dma_start3A_31 = arith.constant 0 : i32
    %dma_start3A_32 = tpu.memref_slice %arg6[%dma_start3A_30, %dma_start3A_31] : memref<40x128xi32, #tpu.memory_space<vmem>> -> memref<1x128xi32, #tpu.memory_space<vmem>>
    %dma_start3A_33 = tpu.memref_squeeze %dma_start3A_32 : memref<1x128xi32, #tpu.memory_space<vmem>> -> memref<128xi32, #tpu.memory_space<vmem>>
    %dma_start3A_34 = arith.constant 0 : i32
    %dma_start3A_35 = arith.constant 0 : i32
    %dma_start3A_36 = tpu.memref_slice %arg2[%dma_start3A_34, %dma_start3A_35] : memref<10000x128xf32, #tpu.memory_space<hbm>> -> memref<10000x128xf32, #tpu.memory_space<hbm>>
    tpu.enqueue_indirect_dma source(%dma_start3A_36 : memref<10000x128xf32, #tpu.memory_space<hbm>>) target(%arg8 : memref<128x128xf32, #tpu.memory_space<vmem>>) offsets(%dma_start3A_33 : memref<128xi32, #tpu.memory_space<vmem>>) semaphore(%arg11 : memref<!tpu.dma_semaphore, #tpu.memory_space<semaphore_mem>>)
    %dma_wait3A = arith.constant 0 : i32
    %dma_wait3A_37 = arith.constant 0 : i32
    %dma_wait3A_38 = tpu.memref_slice %arg2[%dma_wait3A, %dma_wait3A_37] : memref<10000x128xf32, #tpu.memory_space<hbm>> -> memref<128x128xf32, #tpu.memory_space<hbm>>
    %dma_wait3A_39 = arith.constant 0 : i32
    %dma_wait3A_40 = arith.constant 0 : i32
    %dma_wait3A_41 = tpu.memref_slice %arg2[%dma_wait3A_39, %dma_wait3A_40] : memref<10000x128xf32, #tpu.memory_space<hbm>> -> memref<128x128xf32, #tpu.memory_space<hbm>>
    tpu.wait_dma2 semaphore(%arg12 : memref<!tpu.dma_semaphore, #tpu.memory_space<semaphore_mem>>) src(%dma_wait3A_41 : memref<128x128xf32, #tpu.memory_space<hbm>>) dst(%arg9 : memref<128x128xf32, #tpu.memory_space<vmem>>)
    %run_scoped3A = arith.constant 38 : i32
    "tpu.region"() ({
      %run_scoped3A_86 = tpu.sem_alloc : memref<!tpu.dma_semaphore, #tpu.memory_space<semaphore_mem>>
      %dma_start3A_87 = arith.constant 0 : i32
      %dma_start3A_88 = tpu.memref_slice %arg7[%run_scoped3A, %dma_start3A_87] : memref<40x128xi32, #tpu.memory_space<vmem>> -> memref<1x128xi32, #tpu.memory_space<vmem>>
      %dma_start3A_89 = tpu.memref_squeeze %dma_start3A_88 : memref<1x128xi32, #tpu.memory_space<vmem>> -> memref<128xi32, #tpu.memory_space<vmem>>
      %dma_start3A_90 = arith.constant 0 : i32
      %dma_start3A_91 = arith.constant 0 : i32
      %dma_start3A_92 = tpu.memref_slice %arg10[%dma_start3A_90, %dma_start3A_91] : memref<10112x128xf32, #tpu.memory_space<vmem_shared>> -> memref<10112x128xf32, #tpu.memory_space<vmem_shared>>
      tpu.enqueue_indirect_dma source(%arg9 : memref<128x128xf32, #tpu.memory_space<vmem>>) target(%dma_start3A_92 : memref<10112x128xf32, #tpu.memory_space<vmem_shared>>) offsets(%dma_start3A_89 : memref<128xi32, #tpu.memory_space<vmem>>) semaphore(%run_scoped3A_86 : memref<!tpu.dma_semaphore, #tpu.memory_space<semaphore_mem>>) {add = true}
      %dma_wait3A_93 = arith.constant 0 : i32
      %dma_wait3A_94 = tpu.memref_slice %arg7[%run_scoped3A, %dma_wait3A_93] : memref<40x128xi32, #tpu.memory_space<vmem>> -> memref<1x128xi32, #tpu.memory_space<vmem>>
      %dma_wait3A_95 = tpu.memref_squeeze %dma_wait3A_94 : memref<1x128xi32, #tpu.memory_space<vmem>> -> memref<128xi32, #tpu.memory_space<vmem>>
      %dma_wait3A_96 = arith.constant 0 : i32
      %dma_wait3A_97 = arith.constant 0 : i32
      %dma_wait3A_98 = tpu.memref_slice %arg10[%dma_wait3A_96, %dma_wait3A_97] : memref<10112x128xf32, #tpu.memory_space<vmem_shared>> -> memref<10112x128xf32, #tpu.memory_space<vmem_shared>>
      tpu.wait_indirect_dma semaphore(%run_scoped3A_86 : memref<!tpu.dma_semaphore, #tpu.memory_space<semaphore_mem>>) src(%arg9 : memref<128x128xf32, #tpu.memory_space<vmem>>) dst(%dma_wait3A_98 : memref<10112x128xf32, #tpu.memory_space<vmem_shared>>)
      tpu.yield
    }) : () -> ()
    %dma_wait3A_42 = arith.constant 0 : i32
    %dma_wait3A_43 = arith.constant 0 : i32
    %dma_wait3A_44 = tpu.memref_slice %arg2[%dma_wait3A_42, %dma_wait3A_43] : memref<10000x128xf32, #tpu.memory_space<hbm>> -> memref<128x128xf32, #tpu.memory_space<hbm>>
    %dma_wait3A_45 = arith.constant 0 : i32
    %dma_wait3A_46 = arith.constant 0 : i32
    %dma_wait3A_47 = tpu.memref_slice %arg2[%dma_wait3A_45, %dma_wait3A_46] : memref<10000x128xf32, #tpu.memory_space<hbm>> -> memref<128x128xf32, #tpu.memory_space<hbm>>
    tpu.wait_dma2 semaphore(%arg11 : memref<!tpu.dma_semaphore, #tpu.memory_space<semaphore_mem>>) src(%dma_wait3A_47 : memref<128x128xf32, #tpu.memory_space<hbm>>) dst(%arg8 : memref<128x128xf32, #tpu.memory_space<vmem>>)
    %run_scoped3A_48 = arith.constant 39 : i32
    "tpu.region"() ({
      %run_scoped3A_86 = tpu.sem_alloc : memref<!tpu.dma_semaphore, #tpu.memory_space<semaphore_mem>>
      %dma_start3A_87 = arith.constant 0 : i32
      %dma_start3A_88 = tpu.memref_slice %arg7[%run_scoped3A_48, %dma_start3A_87] : memref<40x128xi32, #tpu.memory_space<vmem>> -> memref<1x128xi32, #tpu.memory_space<vmem>>
      %dma_start3A_89 = tpu.memref_squeeze %dma_start3A_88 : memref<1x128xi32, #tpu.memory_space<vmem>> -> memref<128xi32, #tpu.memory_space<vmem>>
      %dma_start3A_90 = arith.constant 0 : i32
      %dma_start3A_91 = arith.constant 0 : i32
      %dma_start3A_92 = tpu.memref_slice %arg10[%dma_start3A_90, %dma_start3A_91] : memref<10112x128xf32, #tpu.memory_space<vmem_shared>> -> memref<10112x128xf32, #tpu.memory_space<vmem_shared>>
      tpu.enqueue_indirect_dma source(%arg8 : memref<128x128xf32, #tpu.memory_space<vmem>>) target(%dma_start3A_92 : memref<10112x128xf32, #tpu.memory_space<vmem_shared>>) offsets(%dma_start3A_89 : memref<128xi32, #tpu.memory_space<vmem>>) semaphore(%run_scoped3A_86 : memref<!tpu.dma_semaphore, #tpu.memory_space<semaphore_mem>>) {add = true}
      %dma_wait3A_93 = arith.constant 0 : i32
      %dma_wait3A_94 = tpu.memref_slice %arg7[%run_scoped3A_48, %dma_wait3A_93] : memref<40x128xi32, #tpu.memory_space<vmem>> -> memref<1x128xi32, #tpu.memory_space<vmem>>
      %dma_wait3A_95 = tpu.memref_squeeze %dma_wait3A_94 : memref<1x128xi32, #tpu.memory_space<vmem>> -> memref<128xi32, #tpu.memory_space<vmem>>
      %dma_wait3A_96 = arith.constant 0 : i32
      %dma_wait3A_97 = arith.constant 0 : i32
      %dma_wait3A_98 = tpu.memref_slice %arg10[%dma_wait3A_96, %dma_wait3A_97] : memref<10112x128xf32, #tpu.memory_space<vmem_shared>> -> memref<10112x128xf32, #tpu.memory_space<vmem_shared>>
      tpu.wait_indirect_dma semaphore(%run_scoped3A_86 : memref<!tpu.dma_semaphore, #tpu.memory_space<semaphore_mem>>) src(%arg8 : memref<128x128xf32, #tpu.memory_space<vmem>>) dst(%dma_wait3A_98 : memref<10112x128xf32, #tpu.memory_space<vmem_shared>>)
      tpu.yield
    }) : () -> ()
    "tpu.region"() ({
      %run_scoped3A_86 = tpu.sem_alloc : memref<!tpu.dma_semaphore, #tpu.memory_space<semaphore_mem>>
      %dma_start3A_87 = arith.constant 40 : i32
      %dma_start3A_88 = arith.constant 0 : i32
      %dma_start3A_89 = tpu.memref_slice %arg3[%add3A, %dma_start3A_87, %dma_start3A_88] : memref<32x80x128xi32, #tpu.memory_space<hbm>> -> memref<1x40x128xi32, #tpu.memory_space<hbm>>
      %dma_start3A_90 = tpu.memref_squeeze %dma_start3A_89 : memref<1x40x128xi32, #tpu.memory_space<hbm>> -> memref<40x128xi32, #tpu.memory_space<hbm>>
      %dma_start3A_91 = arith.constant 40 : i32
      %dma_start3A_92 = arith.constant 0 : i32
      %dma_start3A_93 = tpu.memref_slice %arg3[%add3A, %dma_start3A_91, %dma_start3A_92] : memref<32x80x128xi32, #tpu.memory_space<hbm>> -> memref<1x40x128xi32, #tpu.memory_space<hbm>>
      %dma_start3A_94 = tpu.memref_squeeze %dma_start3A_93 : memref<1x40x128xi32, #tpu.memory_space<hbm>> -> memref<40x128xi32, #tpu.memory_space<hbm>>
      tpu.enqueue_dma source(%dma_start3A_94 : memref<40x128xi32, #tpu.memory_space<hbm>>) target(%arg6 : memref<40x128xi32, #tpu.memory_space<vmem>>) target_semaphore(%run_scoped3A_86 : memref<!tpu.dma_semaphore, #tpu.memory_space<semaphore_mem>>)
      %dma_wait3A_95 = arith.constant 40 : i32
      %dma_wait3A_96 = arith.constant 0 : i32
      %dma_wait3A_97 = tpu.memref_slice %arg3[%add3A, %dma_wait3A_95, %dma_wait3A_96] : memref<32x80x128xi32, #tpu.memory_space<hbm>> -> memref<1x40x128xi32, #tpu.memory_space<hbm>>
      %dma_wait3A_98 = tpu.memref_squeeze %dma_wait3A_97 : memref<1x40x128xi32, #tpu.memory_space<hbm>> -> memref<40x128xi32, #tpu.memory_space<hbm>>
      %dma_wait3A_99 = arith.constant 40 : i32
      %dma_wait3A_100 = arith.constant 0 : i32
      %dma_wait3A_101 = tpu.memref_slice %arg3[%add3A, %dma_wait3A_99, %dma_wait3A_100] : memref<32x80x128xi32, #tpu.memory_space<hbm>> -> memref<1x40x128xi32, #tpu.memory_space<hbm>>
      %dma_wait3A_102 = tpu.memref_squeeze %dma_wait3A_101 : memref<1x40x128xi32, #tpu.memory_space<hbm>> -> memref<40x128xi32, #tpu.memory_space<hbm>>
      tpu.wait_dma2 semaphore(%run_scoped3A_86 : memref<!tpu.dma_semaphore, #tpu.memory_space<semaphore_mem>>) src(%dma_wait3A_102 : memref<40x128xi32, #tpu.memory_space<hbm>>) dst(%arg6 : memref<40x128xi32, #tpu.memory_space<vmem>>)
      tpu.yield
    }) : () -> ()
    "tpu.region"() ({
      %run_scoped3A_86 = tpu.sem_alloc : memref<!tpu.dma_semaphore, #tpu.memory_space<semaphore_mem>>
      %dma_start3A_87 = arith.constant 40 : i32
      %dma_start3A_88 = arith.constant 0 : i32
      %dma_start3A_89 = tpu.memref_slice %arg4[%add3A, %dma_start3A_87, %dma_start3A_88] : memref<32x80x128xi32, #tpu.memory_space<hbm>> -> memref<1x40x128xi32, #tpu.memory_space<hbm>>
      %dma_start3A_90 = tpu.memref_squeeze %dma_start3A_89 : memref<1x40x128xi32, #tpu.memory_space<hbm>> -> memref<40x128xi32, #tpu.memory_space<hbm>>
      %dma_start3A_91 = arith.constant 40 : i32
      %dma_start3A_92 = arith.constant 0 : i32
      %dma_start3A_93 = tpu.memref_slice %arg4[%add3A, %dma_start3A_91, %dma_start3A_92] : memref<32x80x128xi32, #tpu.memory_space<hbm>> -> memref<1x40x128xi32, #tpu.memory_space<hbm>>
      %dma_start3A_94 = tpu.memref_squeeze %dma_start3A_93 : memref<1x40x128xi32, #tpu.memory_space<hbm>> -> memref<40x128xi32, #tpu.memory_space<hbm>>
      tpu.enqueue_dma source(%dma_start3A_94 : memref<40x128xi32, #tpu.memory_space<hbm>>) target(%arg7 : memref<40x128xi32, #tpu.memory_space<vmem>>) target_semaphore(%run_scoped3A_86 : memref<!tpu.dma_semaphore, #tpu.memory_space<semaphore_mem>>)
      %dma_wait3A_95 = arith.constant 40 : i32
      %dma_wait3A_96 = arith.constant 0 : i32
      %dma_wait3A_97 = tpu.memref_slice %arg4[%add3A, %dma_wait3A_95, %dma_wait3A_96] : memref<32x80x128xi32, #tpu.memory_space<hbm>> -> memref<1x40x128xi32, #tpu.memory_space<hbm>>
      %dma_wait3A_98 = tpu.memref_squeeze %dma_wait3A_97 : memref<1x40x128xi32, #tpu.memory_space<hbm>> -> memref<40x128xi32, #tpu.memory_space<hbm>>
      %dma_wait3A_99 = arith.constant 40 : i32
      %dma_wait3A_100 = arith.constant 0 : i32
      %dma_wait3A_101 = tpu.memref_slice %arg4[%add3A, %dma_wait3A_99, %dma_wait3A_100] : memref<32x80x128xi32, #tpu.memory_space<hbm>> -> memref<1x40x128xi32, #tpu.memory_space<hbm>>
      %dma_wait3A_102 = tpu.memref_squeeze %dma_wait3A_101 : memref<1x40x128xi32, #tpu.memory_space<hbm>> -> memref<40x128xi32, #tpu.memory_space<hbm>>
      tpu.wait_dma2 semaphore(%run_scoped3A_86 : memref<!tpu.dma_semaphore, #tpu.memory_space<semaphore_mem>>) src(%dma_wait3A_102 : memref<40x128xi32, #tpu.memory_space<hbm>>) dst(%arg7 : memref<40x128xi32, #tpu.memory_space<vmem>>)
      tpu.yield
    }) : () -> ()
    %dma_start3A_49 = arith.constant 0 : i32
    %dma_start3A_50 = arith.constant 0 : i32
    %dma_start3A_51 = tpu.memref_slice %arg6[%dma_start3A_49, %dma_start3A_50] : memref<40x128xi32, #tpu.memory_space<vmem>> -> memref<1x128xi32, #tpu.memory_space<vmem>>
    %dma_start3A_52 = tpu.memref_squeeze %dma_start3A_51 : memref<1x128xi32, #tpu.memory_space<vmem>> -> memref<128xi32, #tpu.memory_space<vmem>>
    %dma_start3A_53 = arith.constant 0 : i32
    %dma_start3A_54 = arith.constant 0 : i32
    %dma_start3A_55 = tpu.memref_slice %arg2[%dma_start3A_53, %dma_start3A_54] : memref<10000x128xf32, #tpu.memory_space<hbm>> -> memref<10000x128xf32, #tpu.memory_space<hbm>>
    tpu.enqueue_indirect_dma source(%dma_start3A_55 : memref<10000x128xf32, #tpu.memory_space<hbm>>) target(%arg8 : memref<128x128xf32, #tpu.memory_space<vmem>>) offsets(%dma_start3A_52 : memref<128xi32, #tpu.memory_space<vmem>>) semaphore(%arg11 : memref<!tpu.dma_semaphore, #tpu.memory_space<semaphore_mem>>)
    %scan3A_56 = arith.constant 0 : i32
    %scan3A_57 = arith.constant 0 : i32
    %scan3A_58 = arith.constant 19 : i32
    %scan3A_59 = arith.addi %scan3A_57, %scan3A_58 : i32
    %scan3A_60 = arith.constant 1 : i32
    scf.for %scan3A_86 = %scan3A_57 to %scan3A_59 step %scan3A_60  : i32 {
      %mul3A_87 = arith.constant 2 : i32
      %mul3A_88 = arith.muli %mul3A_87, %scan3A_86 : i32
      %add3A_89 = arith.constant 1 : i32
      %add3A_90 = arith.addi %mul3A_88, %add3A_89 : i32
      %dma_start3A_91 = arith.constant 0 : i32
      %dma_start3A_92 = tpu.memref_slice %arg6[%add3A_90, %dma_start3A_91] : memref<40x128xi32, #tpu.memory_space<vmem>> -> memref<1x128xi32, #tpu.memory_space<vmem>>
      %dma_start3A_93 = tpu.memref_squeeze %dma_start3A_92 : memref<1x128xi32, #tpu.memory_space<vmem>> -> memref<128xi32, #tpu.memory_space<vmem>>
      %dma_start3A_94 = arith.constant 0 : i32
      %dma_start3A_95 = arith.constant 0 : i32
      %dma_start3A_96 = tpu.memref_slice %arg2[%dma_start3A_94, %dma_start3A_95] : memref<10000x128xf32, #tpu.memory_space<hbm>> -> memref<10000x128xf32, #tpu.memory_space<hbm>>
      tpu.enqueue_indirect_dma source(%dma_start3A_96 : memref<10000x128xf32, #tpu.memory_space<hbm>>) target(%arg9 : memref<128x128xf32, #tpu.memory_space<vmem>>) offsets(%dma_start3A_93 : memref<128xi32, #tpu.memory_space<vmem>>) semaphore(%arg12 : memref<!tpu.dma_semaphore, #tpu.memory_space<semaphore_mem>>)
      %dma_wait3A_97 = arith.constant 0 : i32
      %dma_wait3A_98 = arith.constant 0 : i32
      %dma_wait3A_99 = tpu.memref_slice %arg2[%dma_wait3A_97, %dma_wait3A_98] : memref<10000x128xf32, #tpu.memory_space<hbm>> -> memref<128x128xf32, #tpu.memory_space<hbm>>
      %dma_wait3A_100 = arith.constant 0 : i32
      %dma_wait3A_101 = arith.constant 0 : i32
      %dma_wait3A_102 = tpu.memref_slice %arg2[%dma_wait3A_100, %dma_wait3A_101] : memref<10000x128xf32, #tpu.memory_space<hbm>> -> memref<128x128xf32, #tpu.memory_space<hbm>>
      tpu.wait_dma2 semaphore(%arg11 : memref<!tpu.dma_semaphore, #tpu.memory_space<semaphore_mem>>) src(%dma_wait3A_102 : memref<128x128xf32, #tpu.memory_space<hbm>>) dst(%arg8 : memref<128x128xf32, #tpu.memory_space<vmem>>)
      "tpu.region"() ({
        %run_scoped3A_119 = tpu.sem_alloc : memref<!tpu.dma_semaphore, #tpu.memory_space<semaphore_mem>>
        %dma_start3A_120 = arith.constant 0 : i32
        %dma_start3A_121 = tpu.memref_slice %arg7[%mul3A_88, %dma_start3A_120] : memref<40x128xi32, #tpu.memory_space<vmem>> -> memref<1x128xi32, #tpu.memory_space<vmem>>
        %dma_start3A_122 = tpu.memref_squeeze %dma_start3A_121 : memref<1x128xi32, #tpu.memory_space<vmem>> -> memref<128xi32, #tpu.memory_space<vmem>>
        %dma_start3A_123 = arith.constant 0 : i32
        %dma_start3A_124 = arith.constant 0 : i32
        %dma_start3A_125 = tpu.memref_slice %arg10[%dma_start3A_123, %dma_start3A_124] : memref<10112x128xf32, #tpu.memory_space<vmem_shared>> -> memref<10112x128xf32, #tpu.memory_space<vmem_shared>>
        tpu.enqueue_indirect_dma source(%arg8 : memref<128x128xf32, #tpu.memory_space<vmem>>) target(%dma_start3A_125 : memref<10112x128xf32, #tpu.memory_space<vmem_shared>>) offsets(%dma_start3A_122 : memref<128xi32, #tpu.memory_space<vmem>>) semaphore(%run_scoped3A_119 : memref<!tpu.dma_semaphore, #tpu.memory_space<semaphore_mem>>) {add = true}
        %dma_wait3A_126 = arith.constant 0 : i32
        %dma_wait3A_127 = tpu.memref_slice %arg7[%mul3A_88, %dma_wait3A_126] : memref<40x128xi32, #tpu.memory_space<vmem>> -> memref<1x128xi32, #tpu.memory_space<vmem>>
        %dma_wait3A_128 = tpu.memref_squeeze %dma_wait3A_127 : memref<1x128xi32, #tpu.memory_space<vmem>> -> memref<128xi32, #tpu.memory_space<vmem>>
        %dma_wait3A_129 = arith.constant 0 : i32
        %dma_wait3A_130 = arith.constant 0 : i32
        %dma_wait3A_131 = tpu.memref_slice %arg10[%dma_wait3A_129, %dma_wait3A_130] : memref<10112x128xf32, #tpu.memory_space<vmem_shared>> -> memref<10112x128xf32, #tpu.memory_space<vmem_shared>>
        tpu.wait_indirect_dma semaphore(%run_scoped3A_119 : memref<!tpu.dma_semaphore, #tpu.memory_space<semaphore_mem>>) src(%arg8 : memref<128x128xf32, #tpu.memory_space<vmem>>) dst(%dma_wait3A_131 : memref<10112x128xf32, #tpu.memory_space<vmem_shared>>)
        tpu.yield
      }) : () -> ()
      %add3A_103 = arith.constant 2 : i32
      %add3A_104 = arith.addi %mul3A_88, %add3A_103 : i32
      %dma_start3A_105 = arith.constant 0 : i32
      %dma_start3A_106 = tpu.memref_slice %arg6[%add3A_104, %dma_start3A_105] : memref<40x128xi32, #tpu.memory_space<vmem>> -> memref<1x128xi32, #tpu.memory_space<vmem>>
      %dma_start3A_107 = tpu.memref_squeeze %dma_start3A_106 : memref<1x128xi32, #tpu.memory_space<vmem>> -> memref<128xi32, #tpu.memory_space<vmem>>
      %dma_start3A_108 = arith.constant 0 : i32
      %dma_start3A_109 = arith.constant 0 : i32
      %dma_start3A_110 = tpu.memref_slice %arg2[%dma_start3A_108, %dma_start3A_109] : memref<10000x128xf32, #tpu.memory_space<hbm>> -> memref<10000x128xf32, #tpu.memory_space<hbm>>
      tpu.enqueue_indirect_dma source(%dma_start3A_110 : memref<10000x128xf32, #tpu.memory_space<hbm>>) target(%arg8 : memref<128x128xf32, #tpu.memory_space<vmem>>) offsets(%dma_start3A_107 : memref<128xi32, #tpu.memory_space<vmem>>) semaphore(%arg11 : memref<!tpu.dma_semaphore, #tpu.memory_space<semaphore_mem>>)
      %dma_wait3A_111 = arith.constant 0 : i32
      %dma_wait3A_112 = arith.constant 0 : i32
      %dma_wait3A_113 = tpu.memref_slice %arg2[%dma_wait3A_111, %dma_wait3A_112] : memref<10000x128xf32, #tpu.memory_space<hbm>> -> memref<128x128xf32, #tpu.memory_space<hbm>>
      %dma_wait3A_114 = arith.constant 0 : i32
      %dma_wait3A_115 = arith.constant 0 : i32
      %dma_wait3A_116 = tpu.memref_slice %arg2[%dma_wait3A_114, %dma_wait3A_115] : memref<10000x128xf32, #tpu.memory_space<hbm>> -> memref<128x128xf32, #tpu.memory_space<hbm>>
      tpu.wait_dma2 semaphore(%arg12 : memref<!tpu.dma_semaphore, #tpu.memory_space<semaphore_mem>>) src(%dma_wait3A_116 : memref<128x128xf32, #tpu.memory_space<hbm>>) dst(%arg9 : memref<128x128xf32, #tpu.memory_space<vmem>>)
      %add3A_117 = arith.constant 1 : i32
      %add3A_118 = arith.addi %mul3A_88, %add3A_117 : i32
      "tpu.region"() ({
        %run_scoped3A_119 = tpu.sem_alloc : memref<!tpu.dma_semaphore, #tpu.memory_space<semaphore_mem>>
        %dma_start3A_120 = arith.constant 0 : i32
        %dma_start3A_121 = tpu.memref_slice %arg7[%add3A_118, %dma_start3A_120] : memref<40x128xi32, #tpu.memory_space<vmem>> -> memref<1x128xi32, #tpu.memory_space<vmem>>
        %dma_start3A_122 = tpu.memref_squeeze %dma_start3A_121 : memref<1x128xi32, #tpu.memory_space<vmem>> -> memref<128xi32, #tpu.memory_space<vmem>>
        %dma_start3A_123 = arith.constant 0 : i32
        %dma_start3A_124 = arith.constant 0 : i32
        %dma_start3A_125 = tpu.memref_slice %arg10[%dma_start3A_123, %dma_start3A_124] : memref<10112x128xf32, #tpu.memory_space<vmem_shared>> -> memref<10112x128xf32, #tpu.memory_space<vmem_shared>>
        tpu.enqueue_indirect_dma source(%arg9 : memref<128x128xf32, #tpu.memory_space<vmem>>) target(%dma_start3A_125 : memref<10112x128xf32, #tpu.memory_space<vmem_shared>>) offsets(%dma_start3A_122 : memref<128xi32, #tpu.memory_space<vmem>>) semaphore(%run_scoped3A_119 : memref<!tpu.dma_semaphore, #tpu.memory_space<semaphore_mem>>) {add = true}
        %dma_wait3A_126 = arith.constant 0 : i32
        %dma_wait3A_127 = tpu.memref_slice %arg7[%add3A_118, %dma_wait3A_126] : memref<40x128xi32, #tpu.memory_space<vmem>> -> memref<1x128xi32, #tpu.memory_space<vmem>>
        %dma_wait3A_128 = tpu.memref_squeeze %dma_wait3A_127 : memref<1x128xi32, #tpu.memory_space<vmem>> -> memref<128xi32, #tpu.memory_space<vmem>>
        %dma_wait3A_129 = arith.constant 0 : i32
        %dma_wait3A_130 = arith.constant 0 : i32
        %dma_wait3A_131 = tpu.memref_slice %arg10[%dma_wait3A_129, %dma_wait3A_130] : memref<10112x128xf32, #tpu.memory_space<vmem_shared>> -> memref<10112x128xf32, #tpu.memory_space<vmem_shared>>
        tpu.wait_indirect_dma semaphore(%run_scoped3A_119 : memref<!tpu.dma_semaphore, #tpu.memory_space<semaphore_mem>>) src(%arg9 : memref<128x128xf32, #tpu.memory_space<vmem>>) dst(%dma_wait3A_131 : memref<10112x128xf32, #tpu.memory_space<vmem_shared>>)
        tpu.yield
      }) : () -> ()
    }
    %scan3A_61 = arith.constant 19 : i32
    %dma_start3A_62 = arith.constant 39 : i32
    %dma_start3A_63 = arith.constant 0 : i32
    %dma_start3A_64 = tpu.memref_slice %arg6[%dma_start3A_62, %dma_start3A_63] : memref<40x128xi32, #tpu.memory_space<vmem>> -> memref<1x128xi32, #tpu.memory_space<vmem>>
    %dma_start3A_65 = tpu.memref_squeeze %dma_start3A_64 : memref<1x128xi32, #tpu.memory_space<vmem>> -> memref<128xi32, #tpu.memory_space<vmem>>
    %dma_start3A_66 = arith.constant 0 : i32
    %dma_start3A_67 = arith.constant 0 : i32
    %dma_start3A_68 = tpu.memref_slice %arg2[%dma_start3A_66, %dma_start3A_67] : memref<10000x128xf32, #tpu.memory_space<hbm>> -> memref<10000x128xf32, #tpu.memory_space<hbm>>
    tpu.enqueue_indirect_dma source(%dma_start3A_68 : memref<10000x128xf32, #tpu.memory_space<hbm>>) target(%arg9 : memref<128x128xf32, #tpu.memory_space<vmem>>) offsets(%dma_start3A_65 : memref<128xi32, #tpu.memory_space<vmem>>) semaphore(%arg12 : memref<!tpu.dma_semaphore, #tpu.memory_space<semaphore_mem>>)
    %dma_wait3A_69 = arith.constant 0 : i32
    %dma_wait3A_70 = arith.constant 0 : i32
    %dma_wait3A_71 = tpu.memref_slice %arg2[%dma_wait3A_69, %dma_wait3A_70] : memref<10000x128xf32, #tpu.memory_space<hbm>> -> memref<128x128xf32, #tpu.memory_space<hbm>>
    %dma_wait3A_72 = arith.constant 0 : i32
    %dma_wait3A_73 = arith.constant 0 : i32
    %dma_wait3A_74 = tpu.memref_slice %arg2[%dma_wait3A_72, %dma_wait3A_73] : memref<10000x128xf32, #tpu.memory_space<hbm>> -> memref<128x128xf32, #tpu.memory_space<hbm>>
    tpu.wait_dma2 semaphore(%arg11 : memref<!tpu.dma_semaphore, #tpu.memory_space<semaphore_mem>>) src(%dma_wait3A_74 : memref<128x128xf32, #tpu.memory_space<hbm>>) dst(%arg8 : memref<128x128xf32, #tpu.memory_space<vmem>>)
    %run_scoped3A_75 = arith.constant 38 : i32
    "tpu.region"() ({
      %run_scoped3A_86 = tpu.sem_alloc : memref<!tpu.dma_semaphore, #tpu.memory_space<semaphore_mem>>
      %dma_start3A_87 = arith.constant 0 : i32
      %dma_start3A_88 = tpu.memref_slice %arg7[%run_scoped3A_75, %dma_start3A_87] : memref<40x128xi32, #tpu.memory_space<vmem>> -> memref<1x128xi32, #tpu.memory_space<vmem>>
      %dma_start3A_89 = tpu.memref_squeeze %dma_start3A_88 : memref<1x128xi32, #tpu.memory_space<vmem>> -> memref<128xi32, #tpu.memory_space<vmem>>
      %dma_start3A_90 = arith.constant 0 : i32
      %dma_start3A_91 = arith.constant 0 : i32
      %dma_start3A_92 = tpu.memref_slice %arg10[%dma_start3A_90, %dma_start3A_91] : memref<10112x128xf32, #tpu.memory_space<vmem_shared>> -> memref<10112x128xf32, #tpu.memory_space<vmem_shared>>
      tpu.enqueue_indirect_dma source(%arg8 : memref<128x128xf32, #tpu.memory_space<vmem>>) target(%dma_start3A_92 : memref<10112x128xf32, #tpu.memory_space<vmem_shared>>) offsets(%dma_start3A_89 : memref<128xi32, #tpu.memory_space<vmem>>) semaphore(%run_scoped3A_86 : memref<!tpu.dma_semaphore, #tpu.memory_space<semaphore_mem>>) {add = true}
      %dma_wait3A_93 = arith.constant 0 : i32
      %dma_wait3A_94 = tpu.memref_slice %arg7[%run_scoped3A_75, %dma_wait3A_93] : memref<40x128xi32, #tpu.memory_space<vmem>> -> memref<1x128xi32, #tpu.memory_space<vmem>>
      %dma_wait3A_95 = tpu.memref_squeeze %dma_wait3A_94 : memref<1x128xi32, #tpu.memory_space<vmem>> -> memref<128xi32, #tpu.memory_space<vmem>>
      %dma_wait3A_96 = arith.constant 0 : i32
      %dma_wait3A_97 = arith.constant 0 : i32
      %dma_wait3A_98 = tpu.memref_slice %arg10[%dma_wait3A_96, %dma_wait3A_97] : memref<10112x128xf32, #tpu.memory_space<vmem_shared>> -> memref<10112x128xf32, #tpu.memory_space<vmem_shared>>
      tpu.wait_indirect_dma semaphore(%run_scoped3A_86 : memref<!tpu.dma_semaphore, #tpu.memory_space<semaphore_mem>>) src(%arg8 : memref<128x128xf32, #tpu.memory_space<vmem>>) dst(%dma_wait3A_98 : memref<10112x128xf32, #tpu.memory_space<vmem_shared>>)
      tpu.yield
    }) : () -> ()
    %dma_wait3A_76 = arith.constant 0 : i32
    %dma_wait3A_77 = arith.constant 0 : i32
    %dma_wait3A_78 = tpu.memref_slice %arg2[%dma_wait3A_76, %dma_wait3A_77] : memref<10000x128xf32, #tpu.memory_space<hbm>> -> memref<128x128xf32, #tpu.memory_space<hbm>>
    %dma_wait3A_79 = arith.constant 0 : i32
    %dma_wait3A_80 = arith.constant 0 : i32
    %dma_wait3A_81 = tpu.memref_slice %arg2[%dma_wait3A_79, %dma_wait3A_80] : memref<10000x128xf32, #tpu.memory_space<hbm>> -> memref<128x128xf32, #tpu.memory_space<hbm>>
    tpu.wait_dma2 semaphore(%arg12 : memref<!tpu.dma_semaphore, #tpu.memory_space<semaphore_mem>>) src(%dma_wait3A_81 : memref<128x128xf32, #tpu.memory_space<hbm>>) dst(%arg9 : memref<128x128xf32, #tpu.memory_space<vmem>>)
    %run_scoped3A_82 = arith.constant 39 : i32
    "tpu.region"() ({
      %run_scoped3A_86 = tpu.sem_alloc : memref<!tpu.dma_semaphore, #tpu.memory_space<semaphore_mem>>
      %dma_start3A_87 = arith.constant 0 : i32
      %dma_start3A_88 = tpu.memref_slice %arg7[%run_scoped3A_82, %dma_start3A_87] : memref<40x128xi32, #tpu.memory_space<vmem>> -> memref<1x128xi32, #tpu.memory_space<vmem>>
      %dma_start3A_89 = tpu.memref_squeeze %dma_start3A_88 : memref<1x128xi32, #tpu.memory_space<vmem>> -> memref<128xi32, #tpu.memory_space<vmem>>
      %dma_start3A_90 = arith.constant 0 : i32
      %dma_start3A_91 = arith.constant 0 : i32
      %dma_start3A_92 = tpu.memref_slice %arg10[%dma_start3A_90, %dma_start3A_91] : memref<10112x128xf32, #tpu.memory_space<vmem_shared>> -> memref<10112x128xf32, #tpu.memory_space<vmem_shared>>
      tpu.enqueue_indirect_dma source(%arg9 : memref<128x128xf32, #tpu.memory_space<vmem>>) target(%dma_start3A_92 : memref<10112x128xf32, #tpu.memory_space<vmem_shared>>) offsets(%dma_start3A_89 : memref<128xi32, #tpu.memory_space<vmem>>) semaphore(%run_scoped3A_86 : memref<!tpu.dma_semaphore, #tpu.memory_space<semaphore_mem>>) {add = true}
      %dma_wait3A_93 = arith.constant 0 : i32
      %dma_wait3A_94 = tpu.memref_slice %arg7[%run_scoped3A_82, %dma_wait3A_93] : memref<40x128xi32, #tpu.memory_space<vmem>> -> memref<1x128xi32, #tpu.memory_space<vmem>>
      %dma_wait3A_95 = tpu.memref_squeeze %dma_wait3A_94 : memref<1x128xi32, #tpu.memory_space<vmem>> -> memref<128xi32, #tpu.memory_space<vmem>>
      %dma_wait3A_96 = arith.constant 0 : i32
      %dma_wait3A_97 = arith.constant 0 : i32
      %dma_wait3A_98 = tpu.memref_slice %arg10[%dma_wait3A_96, %dma_wait3A_97] : memref<10112x128xf32, #tpu.memory_space<vmem_shared>> -> memref<10112x128xf32, #tpu.memory_space<vmem_shared>>
      tpu.wait_indirect_dma semaphore(%run_scoped3A_86 : memref<!tpu.dma_semaphore, #tpu.memory_space<semaphore_mem>>) src(%arg9 : memref<128x128xf32, #tpu.memory_space<vmem>>) dst(%dma_wait3A_98 : memref<10112x128xf32, #tpu.memory_space<vmem_shared>>)
      tpu.yield
    }) : () -> ()
    %barrier3A_83 = arith.constant 0 : index
    tpu.barrier barrier_id(%barrier3A_83)
    %mul3A_84 = arith.constant 632 : i32
    %mul3A_85 = arith.muli %arg1, %mul3A_84 : i32
    "tpu.region"() ({
      %run_scoped3A_86 = tpu.sem_alloc : memref<!tpu.dma_semaphore, #tpu.memory_space<semaphore_mem>>
      %dma_start3A_87 = arith.constant 0 : i32
      %dma_start3A_88 = tpu.memref_slice %arg5[%arg0, %mul3A_85, %dma_start3A_87] : memref<2x10112x128xf32, #tpu.memory_space<hbm>> -> memref<1x632x128xf32, #tpu.memory_space<hbm>>
      %dma_start3A_89 = tpu.memref_squeeze %dma_start3A_88 : memref<1x632x128xf32, #tpu.memory_space<hbm>> -> memref<632x128xf32, #tpu.memory_space<hbm>>
      %dma_start3A_90 = arith.constant 0 : i32
      %dma_start3A_91 = tpu.memref_slice %arg10[%mul3A_85, %dma_start3A_90] : memref<10112x128xf32, #tpu.memory_space<vmem_shared>> -> memref<632x128xf32, #tpu.memory_space<vmem_shared>>
      tpu.enqueue_dma source(%dma_start3A_91 : memref<632x128xf32, #tpu.memory_space<vmem_shared>>) target(%dma_start3A_89 : memref<632x128xf32, #tpu.memory_space<hbm>>) target_semaphore(%run_scoped3A_86 : memref<!tpu.dma_semaphore, #tpu.memory_space<semaphore_mem>>)
      %dma_wait3A_92 = arith.constant 0 : i32
      %dma_wait3A_93 = tpu.memref_slice %arg5[%arg0, %mul3A_85, %dma_wait3A_92] : memref<2x10112x128xf32, #tpu.memory_space<hbm>> -> memref<1x632x128xf32, #tpu.memory_space<hbm>>
      %dma_wait3A_94 = tpu.memref_squeeze %dma_wait3A_93 : memref<1x632x128xf32, #tpu.memory_space<hbm>> -> memref<632x128xf32, #tpu.memory_space<hbm>>
      %dma_wait3A_95 = arith.constant 0 : i32
      %dma_wait3A_96 = tpu.memref_slice %arg10[%mul3A_85, %dma_wait3A_95] : memref<10112x128xf32, #tpu.memory_space<vmem_shared>> -> memref<632x128xf32, #tpu.memory_space<vmem_shared>>
      tpu.wait_dma2 semaphore(%run_scoped3A_86 : memref<!tpu.dma_semaphore, #tpu.memory_space<semaphore_mem>>) src(%dma_wait3A_96 : memref<632x128xf32, #tpu.memory_space<vmem_shared>>) dst(%dma_wait3A_94 : memref<632x128xf32, #tpu.memory_space<hbm>>)
      tpu.yield
    }) : () -> ()
    return
  }
}

module attributes {stable_mosaic.version = 14 : i64} {
  func.func @_linear_body(%arg0: i32, %arg1: memref<1000x128xf32, #tpu.memory_space<vmem>>, %arg2: memref<128x128xf32, #tpu.memory_space<vmem>>, %arg3: memref<1x128xf32, #tpu.memory_space<vmem>>, %arg4: memref<1000x128xf32, #tpu.memory_space<vmem>>) attributes {dimension_semantics = [#tpu.dimension_semantics<arbitrary>], iteration_bounds = array<i64: 10>, scalar_prefetch = 0 : i64, scratch_operands = 0 : i64, tpu.core_type = #tpu.core_type<tc>, window_params = [{transform_indices = @transform_0, window_bounds = array<i64: 1000, 128>}, {pipeline_mode = #tpu.pipeline_mode<synchronous>, transform_indices = @transform_1, window_bounds = array<i64: 128, 128>}, {pipeline_mode = #tpu.pipeline_mode<synchronous>, transform_indices = @transform_2, window_bounds = array<i64: 1, 128>}, {transform_indices = @transform_3, window_bounds = array<i64: 1000, 128>}]} {
    %get3A = arith.constant 0 : index
    %get3A_0 = arith.constant 0 : index
    %get3A_1 = vector.load %arg1[%get3A, %get3A_0] : memref<1000x128xf32, #tpu.memory_space<vmem>>, vector<1000x128xf32>
    %get3A_2 = arith.constant 0 : index
    %get3A_3 = arith.constant 0 : index
    %get3A_4 = vector.load %arg2[%get3A_2, %get3A_3] : memref<128x128xf32, #tpu.memory_space<vmem>>, vector<128x128xf32>
    %dot_general3A = arith.constant dense<0.000000e+00> : vector<1000x128xf32>
    %dot_general3A_5 = tpu.matmul %get3A_1, %get3A_4, %dot_general3A {dimension_numbers = #tpu.dot_dimension_numbers<[1], [0], [0], [1], [0, 0, 1, 1], [], []>, transpose_lhs_hint = false} : vector<1000x128xf32>, vector<128x128xf32>, vector<1000x128xf32> -> vector<1000x128xf32>
    %get3A_6 = arith.constant 0 : index
    %get3A_7 = arith.constant 0 : index
    %get3A_8 = vector.load %arg3[%get3A_6, %get3A_7] : memref<1x128xf32, #tpu.memory_space<vmem>>, vector<1x128xf32>
    %add3A = vector.broadcast %get3A_8 : vector<1x128xf32> to vector<1000x128xf32>
    %add3A_9 = arith.addf %dot_general3A_5, %add3A : vector<1000x128xf32>
    %swap3A = arith.constant 0 : index
    %swap3A_10 = arith.constant 0 : index
    %swap3A_11 = vector.load %arg4[%swap3A, %swap3A_10] : memref<1000x128xf32, #tpu.memory_space<vmem>>, vector<1000x128xf32>
    tpu.vector_store %arg4[%swap3A, %swap3A_10], %add3A_9 {strides = array<i32>} : memref<1000x128xf32, #tpu.memory_space<vmem>>, vector<1000x128xf32>,
    return
  }
  func.func @transform_0(%arg0: i32) -> (i32, i32) {
    %c0_i32 = arith.constant 0 : i32
    %c0_i32_0 = arith.constant 0 : i32
    return %arg0, %c0_i32 : i32, i32
  }
  func.func @transform_1(%arg0: i32) -> (i32, i32) {
    %c0_i32 = arith.constant 0 : i32
    %c0_i32_0 = arith.constant 0 : i32
    %c0_i32_1 = arith.constant 0 : i32
    return %c0_i32, %c0_i32_0 : i32, i32
  }
  func.func @transform_2(%arg0: i32) -> (i32, i32) {
    %c0_i32 = arith.constant 0 : i32
    %c0_i32_0 = arith.constant 0 : i32
    %c0_i32_1 = arith.constant 0 : i32
    return %c0_i32, %c0_i32_0 : i32, i32
  }
  func.func @transform_3(%arg0: i32) -> (i32, i32) {
    %c0_i32 = arith.constant 0 : i32
    %c0_i32_0 = arith.constant 0 : i32
    return %arg0, %c0_i32 : i32, i32
  }
}

module attributes {stable_mosaic.version = 14 : i64} {
  func.func @_combine_body(%arg0: i32, %arg1: memref<1x1000x128xf32, #tpu.memory_space<vmem>>, %arg2: memref<1x1000x128xf32, #tpu.memory_space<vmem>>, %arg3: memref<1000x128xf32, #tpu.memory_space<vmem>>) attributes {dimension_semantics = [#tpu.dimension_semantics<arbitrary>], iteration_bounds = array<i64: 10>, scalar_prefetch = 0 : i64, scratch_operands = 0 : i64, tpu.core_type = #tpu.core_type<tc>, window_params = [{transform_indices = @transform_0, window_bounds = array<i64: 1, 1000, 128>}, {transform_indices = @transform_1, window_bounds = array<i64: 1, 1000, 128>}, {transform_indices = @transform_2, window_bounds = array<i64: 1000, 128>}]} {
    %get3A = arith.constant 0 : index
    %get3A_0 = arith.constant 0 : index
    %get3A_1 = arith.constant 0 : index
    %get3A_2 = vector.load %arg1[%get3A, %get3A_0, %get3A_1] : memref<1x1000x128xf32, #tpu.memory_space<vmem>>, vector<1x1000x128xf32>
    %get3A_3 = vector.shape_cast %get3A_2 : vector<1x1000x128xf32> to vector<1000x128xf32>
    %get3A_4 = arith.constant 0 : index
    %get3A_5 = arith.constant 0 : index
    %get3A_6 = arith.constant 0 : index
    %get3A_7 = vector.load %arg2[%get3A_4, %get3A_5, %get3A_6] : memref<1x1000x128xf32, #tpu.memory_space<vmem>>, vector<1x1000x128xf32>
    %get3A_8 = vector.shape_cast %get3A_7 : vector<1x1000x128xf32> to vector<1000x128xf32>
    %add3A = arith.addf %get3A_3, %get3A_8 : vector<1000x128xf32>
    %swap3A = arith.constant 0 : index
    %swap3A_9 = arith.constant 0 : index
    %swap3A_10 = vector.load %arg3[%swap3A, %swap3A_9] : memref<1000x128xf32, #tpu.memory_space<vmem>>, vector<1000x128xf32>
    tpu.vector_store %arg3[%swap3A, %swap3A_9], %add3A {strides = array<i32>} : memref<1000x128xf32, #tpu.memory_space<vmem>>, vector<1000x128xf32>,
    return
  }
  func.func @transform_0(%arg0: i32) -> (i32, i32, i32) {
    %c0_i32 = arith.constant 0 : i32
    %c0_i32_0 = arith.constant 0 : i32
    %c0_i32_1 = arith.constant 0 : i32
    return %c0_i32, %arg0, %c0_i32_0 : i32, i32, i32
  }
  func.func @transform_1(%arg0: i32) -> (i32, i32, i32) {
    %c1_i32 = arith.constant 1 : i32
    %c0_i32 = arith.constant 0 : i32
    %c0_i32_0 = arith.constant 0 : i32
    return %c1_i32, %arg0, %c0_i32 : i32, i32, i32
  }
  func.func @transform_2(%arg0: i32) -> (i32, i32) {
    %c0_i32 = arith.constant 0 : i32
    %c0_i32_0 = arith.constant 0 : i32
    return %arg0, %c0_i32 : i32, i32
  }
}

</mosaic_0001>

<sc_bundles>
// kernel: kernel.5.cloned.1.call-start
scs
__scs_entry_jumppad:
0x0: {  	(pc) =	sbr.rel $0x88, $3  }
0x1: {  	(tag) =	ssettag $0x0;
	lr =	simm.s32 $0x1  }
0x2: {  	[smem:$0x3F9D] =	sst lr;
	_ =	strace $0xD0000000  }
0x3: {  	_ = 	snop  }
0x4: {  	_ = 	snop  }
0x5: {  	_ = 	snop  }
0x6: {  	_ = 	snop  }
0x7: {  	_ = 	snop  }
__scs_overlays_trampoline_lowered:
0x8: {  	[smem:$0x3FAC] =	sst s0  }
0x9: {  	[smem:$0x3FAD] =	sst s1  }
0xa: {  	[smem:$0x3FAE] =	sst s2  }
0xb: {  	[smem:$0x3FAF] =	sst s3  }
0xc: {  	[smem:$0x3FB0] =	sst s4  }
0xd: {  	[smem:$0x3FB1] =	sst s5  }
0xe: {  	[smem:$0x3FB2] =	sst s6  }
0xf: {  	[smem:$0x3FB3] =	sst s7  }
0x10: {  	[smem:$0x3FB4] =	sst s8  }
0x11: {  	[smem:$0x3FB5] =	sst s9;
	s0 =	simm.s32 @!p0 $0x0  }
0x12: {  	s1 =	sld [smem:$0x3F9B];
	s0 =	simm.s32 @p0 $0x1  }
0x13: {  	[smem:$0x3FB6] =	sst s0;
	s0 =	simm.s32 @!p1 $0x0  }
0x14: {  	s2 =	sld [smem:$0x3F9A];
	s0 =	simm.s32 @p1 $0x1  }
0x15: {  	[smem:$0x3FB7] =	sst s0;
	s0 =	simm.s32 @!p2 $0x0  }
0x16: {  	s3 =	sld [smem:$0x3FDB];
	s0 =	simm.s32 @p2 $0x1  }
0x17: {  	s4 =	simm.s32 $0x1BF5;
	[smem:$0x3FB9] =	sst s0  }
0x18: {  	s0 =	sld [smem:$0x3F9C];
	_ =	swait.ge [sflag:s4], $0x0  }
0x19: {  	s7 =	sld [smem:$0x3F9D]  }
0x1a: {  	s8 =	sadd.s32 $0xFFFFE003, lr  }
0x1b: {  	s9 =	sadd.s32 $0xFFFFFEF7, lr;
	s5 =	simm.s32 $0xFFFFFFFF;
	p2 =	slt.u32 s8, $0xFFFFF086  }
0x1c: {  	p1 =	slt.u32 s9, $0xF7A;
	s5 =	simm.s32 @!p2 $0x0  }
0x1d: {  	s5 =	simm.s32 @p1 $0x1;
	p0 =	seq.s32 s7, s2  }
0x1e: {  	s7 =	smul.u32 @!p0 $0xF7A, s2;
	p2 =	seq.s32 @!p0 s5, $0x0  }
0x1f: {  	s9 =	smul.u32 $0xF7A, s1;
	s8 =	simm.s32 @!p0 $0x1BF5;
	p2 =	por !p2, p0  }
0x20: {  	[sflag:s8] =	ssyncset.s32 @!p0 $0xFFFFF086;
	s6 =	sadd.s32 @!p0 s3, s7;
	s7 =	simm.s32 @!p0 $0x108  }
0x21: {  	s3 =	sadd.s32 s3, s9;
	s6 =	sadd.s32 @!p0 $0x88, s6;
	s7 =	simm.s32 @p2 $0x1082  }
0x22: {  	[simem:s7], [sflag:s8] =	dma.local @!p0 [hbm:s6], $0xF7A  }
0x23: {  	s9 =	sor.u32 $0xD0000000, s2;
	s6 =	simm.s32 $0x108;
	_ =	swait.ge @!p0 [sflag:s8], $0x0  }
0x24: {  	s3 =	sadd.s32 $0x88, s3;
	s6 =	simm.s32 @!p1 $0x1082;
	[sflag:s4] =	ssyncset.s32 $0xFFFFF086  }
0x25: {  	[simem:s6], [sflag:s4] =	dma.local [hbm:s3], $0xF7A  }
0x26: {  	[smem:$0x3F9D] =	sst s1;
	(tag) =	ssettag s2;
	_ =	strace s9  }
0x27: {  	s1 =	sld [smem:$0x3FAD]  }
0x28: {  	s2 =	sld [smem:$0x3FAE]  }
0x29: {  	s4 =	sld [smem:$0x3FB0]  }
0x2a: {  	p0 =	seq.s32 s5, $0x0;
	s5 =	sld [smem:$0x3FB1]  }
0x2b: {  	s6 =	sld [smem:$0x3FB2]  }
0x2c: {  	s7 =	sld [smem:$0x3FB3]  }
0x2d: {  	s3 =	simm.s32 $0x108;
	s8 =	sld [smem:$0x3FB4]  }
0x2e: {  	s3 =	simm.s32 @!p0 $0x1082;
	s9 =	sld [smem:$0x3FB5]  }
0x2f: {  	lr =	sadd.s32 s0, s3;
	s0 =	sld [smem:$0x3FAC]  }
0x30: {  	s3 =	sld [smem:$0x3FAF]  }
0x31: {  	[smem:$0x3FB8] =	sst s10  }
0x32: {  	s10 =	sld [smem:$0x3FB6];
	_ =	sdelay $0x3  }
0x33: {  	p0 =	seq.s32 s10, $0x1;
	s10 =	sld [smem:$0x3FB8];
	_ =	sdelay $0x3  }
0x34: {  	[smem:$0x3FB8] =	sst s10  }
0x35: {  	s10 =	sld [smem:$0x3FB7];
	_ =	sdelay $0x3  }
0x36: {  	p1 =	seq.s32 s10, $0x1;
	s10 =	sld [smem:$0x3FB8];
	_ =	sdelay $0x3  }
0x37: {  	[smem:$0x3FB8] =	sst s10  }
0x38: {  	s10 =	sld [smem:$0x3FB9]  }
0x39: {  	_ = 	snop;
	(pc) =	sbr.ind lr, $3  }
0x3a: {  	_ = 	snop  }
0x3b: {  	_ = 	snop  }
0x3c: {  	p2 =	seq.s32 s10, $0x1;
	s10 =	sld [smem:$0x3FB8]  }
0x3d: {  	_ =	shalt  }
0x3e: {  	_ =	shalt  }
0x3f: {  	_ =	shalt  }
0x40: {  	_ =	shalt  }
0x41: {  	_ =	shalt  }
0x42: {  	_ =	shalt  }
0x43: {  	_ =	shalt  }
0x44: {  	_ =	shalt  }
0x45: {  	_ =	shalt  }
0x46: {  	_ =	shalt  }
0x47: {  	_ =	shalt  }
0x48: {  	_ =	shalt  }
0x49: {  	_ =	shalt  }
0x4a: {  	_ =	shalt  }
0x4b: {  	_ =	shalt  }
0x4c: {  	_ =	shalt  }
0x4d: {  	_ =	shalt  }
0x4e: {  	_ =	shalt  }
0x4f: {  	_ =	shalt  }
0x50: {  	_ =	shalt  }
0x51: {  	_ =	shalt  }
0x52: {  	_ =	shalt  }
0x53: {  	_ =	shalt  }
0x54: {  	_ =	shalt  }
0x55: {  	_ =	shalt  }
0x56: {  	_ =	shalt  }
0x57: {  	_ =	shalt  }
0x58: {  	_ =	shalt  }
0x59: {  	_ =	shalt  }
0x5a: {  	_ =	shalt  }
0x5b: {  	_ =	shalt  }
0x5c: {  	_ =	shalt  }
0x5d: {  	_ =	shalt  }
0x5e: {  	_ =	shalt  }
0x5f: {  	_ =	shalt  }
0x60: {  	_ =	shalt  }
0x61: {  	_ =	shalt  }
0x62: {  	_ =	shalt  }
0x63: {  	_ =	shalt  }
0x64: {  	_ =	shalt  }
0x65: {  	_ =	shalt  }
0x66: {  	_ =	shalt  }
0x67: {  	_ =	shalt  }
0x68: {  	_ =	shalt  }
0x69: {  	_ =	shalt  }
0x6a: {  	_ =	shalt  }
0x6b: {  	_ =	shalt  }
0x6c: {  	_ =	shalt  }
0x6d: {  	_ =	shalt  }
0x6e: {  	_ =	shalt  }
0x6f: {  	_ =	shalt  }
0x70: {  	_ =	shalt  }
0x71: {  	_ =	shalt  }
0x72: {  	_ =	shalt  }
0x73: {  	_ =	shalt  }
0x74: {  	_ =	shalt  }
0x75: {  	_ =	shalt  }
0x76: {  	_ =	shalt  }
0x77: {  	_ =	shalt  }
0x78: {  	_ =	shalt  }
0x79: {  	_ =	shalt  }
0x7a: {  	_ =	shalt  }
0x7b: {  	_ =	shalt  }
0x7c: {  	_ =	shalt  }
0x7d: {  	_ =	shalt  }
0x7e: {  	_ =	shalt  }
0x7f: {  	_ =	shalt  }
0x80: {  	_ =	shalt  }
0x81: {  	_ =	shalt  }
0x82: {  	_ =	shalt  }
0x83: {  	_ =	shalt  }
0x84: {  	_ =	shalt  }
0x85: {  	_ =	shalt  }
0x86: {  	_ =	shalt  }
0x87: {  	_ =	shalt  }
.Lfunc_end0:
.L_simem_size_0:
called_computation_lowered:
.L_overlay_start_0:
0x88: {  	s2 =	sld [smem:$0x3FD9]  }
0x89: {  	s3 =	sld [smem:$0x3FFE];
	_ =	sdelay $0x1  }
0x8a: {  	s1 =	srdreg.scid  }
0x8b: {  	s0 =	sand.u32 $0x1, s1  }
0x8c: {  	s17 =	sshll.u32 s0, $0xA;
	s2 =	sadd.s32 s3, s2  }
0x8d: {  	s2 =	sadd.s32 s2, s17  }
0x8e: {  	[smem:$0x3FC4] =	sst s2  }
0x8f: {  	_ = 	snop  }
0x90: {  	s2 =	sld [smem:$0x3FD0];
	(tm) =	ssettm $0x1  }
0x91: {  	s18 =	sld [smem:$0x3FFB];
	_ =	sdelay $0x3  }
0x92: {  	_ =	strace s18  }
0x93: {  	s3 =	sld [smem:$0x3FFC];
	_ =	sdelay $0x3  }
0x94: {  	_ =	strace s3  }
0x95: {  	s3 =	sld [smem:$0x3FFD];
	_ =	sdelay $0x3  }
0x96: {  	_ =	strace s3  }
0x97: {  	_ =	strace $0x8FFFFFFF  }
0x98: {  	s19 =	sld [smem:$0x3FDB];
	_ =	sdelay $0x1  }
0x99: {  	s4 =	simm.s32 $_scs_section_size  }
0x9a: {  	s5 =	simm.s32 $_size__tile_overlayer_lowered;
	s6 =	simm.s32 $_tile_overlayer_lowered  }
0x9b: {  	s22 =	simm.s32 $0x1BFF;
	s21 =	sshll.u32 s6, $0x1;
	s3 =	sadd.s32 s4, s19  }
0x9c: {  	s7 =	simm.s32 $0x0;
	s20 =	sshll.u32 s5, $0x1;
	s5 =	sadd.s32 s21, s3  }
0x9d: {  	[timem:s7], [sflag:s22] =	dma.local [hbm:s5], s20  }
0x9e: {  	_ =	swait.ge [sflag:s22], s20  }
0x9f: {  	s4 =	ssub.s32 $0x0, s20;
	[sflag:s22] =	ssyncset.done $0x0  }
0xa0: {  	[sflag:s22] =	ssyncadd.s32 s4;
	_ =	sdelay $0x1  }
0xa1: {  	s23 =	simm.s32 $0x1B8B  }
0xa2: {  	_ =	swait.ge [sflag:s23], $0x1  }
0xa3: {  	[sflag:s23] =	ssyncset.done $0x0  }
0xa4: {  	s25 =	simm.s32 $0x1B8E;
	s24 =	sld [smem:$0x3FFE];
	[sflag:s23] =	ssyncadd.s32 $0xFFFFFFFF  }
0xa5: {  	s26 =	simm.s32 $execute0_lowered;
	[smem:$0x3FD2] =	sst s25  }
0xa6: {  	s5 =	sshll.u32 s26, $0x1;
	_ =	strace $0x80000046;
	[dreg:$0x1] =	wrdreg $0xFFFFFFFF  }
0xa7: {  	s28 =	simm.s32 $_size_execute0_lowered;
	s3 =	sadd.s32 s3, s5;
	[dreg:$0x0] =	wrdreg $0x0  }
0xa8: {  	s5 =	sshll.u32 s28, $0x1;
	[dreg:$0x2] =	wrdreg s3  }
0xa9: {  	[dreg:$0x3] =	wrdreg s5  }
0xaa: {  	[dreg:$0x4] =	wrdreg $0xC0  }
0xab: {  	_ =	task [dreg:s7], $0x5FFFF  }
0xac: {  	[dreg:$0x1] =	wrdreg $0xFFFFFFFF  }
0xad: {  	[dreg:$0x0] =	wrdreg $0x60  }
0xae: {  	[dreg:$0x2] =	wrdreg s2  }
0xaf: {  	[dreg:$0x3] =	wrdreg s24  }
0xb0: {  	[dreg:$0x4] =	wrdreg $0xA8000  }
0xb1: {  	[dreg:$0x5] =	wrdreg $0x9  }
0xb2: {  	_ =	task.clear_ibuf [dreg:s7], $0x6FFFF;
	_ =	strace $0x90000046  }
0xb3: {  	s29 =	simm.s32 $0x9;
	_ =	strace $0x80000048  }
0xb4: {  	_ =	swait.ge [sflag:s29], $0x1  }
0xb5: {  	[sflag:s29] =	ssyncadd.s32 $0xFFFFFFFF  }
0xb6: {  	_ =	strace $0x90000048  }
0xb7: {  	_ =	sfence  }
0xb8: {  	s30 =	sld [smem:$0x0];
	_ =	sdelay $0x2  }
0xb9: {  	s31 =	sshll.u32 s1, $0xD;
	s1 =	sshrl.u32 s1, $0x2  }
0xba: {  	s3 =	sand.u32 $0x4000, s31;
	s1 =	sadd.s32 s1, s30  }
0xbb: {  	s0 =	sor.u32 s3, s0;
	s1 =	sshll.u32 s1, $0x11  }
0xbc: {  	s0 =	sor.u32 s1, s0  }
0xbd: {  	s0 =	sadd.s32 $0x8F2B, s0  }
0xbe: {  	[sflag:s0] =	ssyncadd.remote.s32 $0x1  }
0xbf: {  	_ =	sfence.sel $0xFFFF  }
0xc0: {  	[dreg:$0x0] =	wrdreg $0xFFFFFFFF;
	(pc) =	sbr.abs _section_cstart, $3  }
0xc1: {  	[dreg:$0x1] =	wrdreg $0xFFFFFFFF  }
0xc2: {  	_ =	task.clear_ibuf [dreg:s7], $0x2FFFF;
	_ =	strace $0x9FFFFFFF  }
0xc3: {  	(tm) =	ssettm $0x7FFFFFFF  }
tec
execute0_lowered:
.L_overlay_start_1:
0x0: {  	(tag) =	ssettag $0x1  }
0x1: {  	s1 =	rddreg [dreg:$0x0]  }
0x2: {  	s5 =	rddreg [dreg:$0x1]  }
0x3: {  	s3 =	rddreg [dreg:$0x2]  }
0x4: {  	s2 =	srdreg.scid;
	s4 =	simm.s32 $0x0;
	s17 =	simm.s32 $0x1400  }
0x5: {  	s18 =	simm.s32 $0x80;
	s19 =	simm.s32 $0x6800;
	s20 =	simm.s32 $0x2800  }
0x6: {  	s21 =	simm.s32 $0x2;
	s22 =	simm.s32 $0x1;
	s23 =	simm.s32 $0x1380  }
0x7: {  	s24 =	simm.s32 $0x2700;
	s25 =	simm.s32 $0x2780;
	s26 =	simm.s32 $0x0  }
0x8: {  	s6 =	sand.u32 $0x1, s2;
	s2 =	stileid.u32;
	[smem:$0x7FF] =	sst s4  }
0x9: {  	s12 =	sadd.s32 $0xAA00, s5;
	s13 =	sadd.s32 $0xA00, s5;
	s7 =	smul.u32 $0x13C000, s6  }
0xa: {  	s8 =	smul.u32 $0x13C00, s2;
	s9 =	sshll.u32 s6, $0x4;
	_ =	strace $0x80000047  }
0xb: {  	s29 =	smul.u32 $0x4F000, s2;
	s30 =	ssub.s32 $0x2, s6;
	s9 =	sor.u32 s2, s9  }
0xc: {  	s6 =	sshrl.u32 s30, $0x1;
	s7 =	sadd.s32 s8, s7;
	s28 =	smul.u32 $0x2800, s9  }
0xd: {  	s31 =	sshrl.u32 s29, $0x2;
	s16 =	ssub.s32 s30, s6;
	s7 =	sshrl.u32 s7, $0x3  }
0xe: {  	s6 =	sadd.s32 s31, s3;
	s14 =	sadd.s32 s7, s5;
	s15 =	sshrl.u32 s28, $0x3  }
0xf: {  	s8 =	sadd.s32 $0x4000, s6;
	s9 =	sadd.s32 $0x8000, s6;
	s10 =	sadd.s32 $0xC000, s6  }
0x10: {  	s5 =	sadd.s32 s12, s15;
	s7 =	sadd.s32 s13, s15;
	s15 =	sadd.s32 $0x280, s15  }
0x11: {  	s11 =	sadd.s32 $0x10000, s6;
	s14 =	sadd.s32 $0x14A00, s14;
	s12 =	sadd.s32 s12, s15  }
0x12: {  	v0 =	vimm.f32 $0.0e+00;
	s13 =	sadd.s32 s13, s15;
	s15 =	smax.u32 s16, $0x1;
	s16 =	simm.s32 $0x3  }
.LBB2_1:
0x13: {  	[tilespmem:s4], [sflag:$0x3] =	stream.linear.gather [hbm4b:s5+s4], $0x1400, $0x38;
	[tilespmem:$0x1E400] =	vst v63  }
0x14: {  	_ =	swait.ge [sflag:s16], $0x1400  }
0x15: {  	[sflag:s16] =	ssyncset.done $0x0  }
0x16: {  	[sflag:s16] =	ssyncadd.s32 $0xFFFFEC00  }
0x17: {  	[tilespmem:s17], [sflag:$0x3] =	stream.linear.gather [hbm4b:s7+s4], $0x1400, $0x38;
	[tilespmem:$0x1E400] =	vst v63  }
0x18: {  	_ =	swait.ge [sflag:s16], $0x1400  }
0x19: {  	[sflag:s16] =	ssyncset.done $0x0  }
0x1a: {  	s28 =	simm.s32 $0x0;
	s29 =	simm.s32 $0x200;
	[sflag:s16] =	ssyncadd.s32 $0xFFFFEC00  }
0x1b: {  	[tilespmem:s19], [sflag:$0x2] =	stream.indirect.gather [hbm4b:s1+s18], $0x80, s4, s18, $0xb8;
	[tilespmem:$0x1E400] =	vst v63  }
.LBB2_2:
0x1c: {  	p0 =	sne.s32 s29, $0xFE00;
	[tilespmem:s28+$0x2870] =	vst v0  }
0x1d: {  	[tilespmem:s28+$0x2800] =	vst v0  }
0x1e: {  	[tilespmem:s28+$0x2810] =	vst v0  }
.Ltmp0:
0x1f: {  	[tilespmem:s28+$0x2820] =	vst v0;
	(pc) =	sbr.rel @p0 .LBB2_2-.Ltmp0, $4  }
0x20: {  	[tilespmem:s28+$0x2830] =	vst v0  }
0x21: {  	[tilespmem:s28+$0x2840] =	vst v0  }
0x22: {  	[tilespmem:s28+$0x2850] =	vst v0  }
0x23: {  	[tilespmem:s28+$0x2860] =	vst v0;
	s28 =	sshra.s32 s29, $0x2;
	s29 =	sadd.s32 $0x200, s29  }
0x24: {  	[tilespmem:s28+$0x2870] =	vst v0  }
0x25: {  	[tilespmem:s28+$0x2800] =	vst v0  }
0x26: {  	[tilespmem:s28+$0x2810] =	vst v0  }
0x27: {  	[tilespmem:s28+$0x2820] =	vst v0  }
0x28: {  	[tilespmem:s28+$0x2830] =	vst v0  }
0x29: {  	[tilespmem:s28+$0x2840] =	vst v0  }
0x2a: {  	[tilespmem:s28+$0x2850] =	vst v0  }
0x2b: {  	[tilespmem:s28+$0x2860] =	vst v0  }
0x2c: {  	[spmem:s6] =	stream.linear.scatter [tilespmem:s20], [sflag:$0x3], $0x4000, $0x38;
	[tilespmem:$0x1E400] =	vst v63  }
0x2d: {  	_ =	swait.ge [sflag:s16], $0x4000  }
0x2e: {  	[sflag:s16] =	ssyncset.done $0x0  }
0x2f: {  	[sflag:s16] =	ssyncadd.s32 $0xFFFFC000  }
0x30: {  	[spmem:s8] =	stream.linear.scatter [tilespmem:s20], [sflag:$0x3], $0x4000, $0x38;
	[tilespmem:$0x1E400] =	vst v63  }
0x31: {  	_ =	swait.ge [sflag:s16], $0x4000  }
0x32: {  	[sflag:s16] =	ssyncset.done $0x0  }
0x33: {  	[sflag:s16] =	ssyncadd.s32 $0xFFFFC000  }
0x34: {  	[spmem:s9] =	stream.linear.scatter [tilespmem:s20], [sflag:$0x3], $0x4000, $0x38;
	[tilespmem:$0x1E400] =	vst v63  }
0x35: {  	_ =	swait.ge [sflag:s16], $0x4000  }
0x36: {  	[sflag:s16] =	ssyncset.done $0x0  }
0x37: {  	[sflag:s16] =	ssyncadd.s32 $0xFFFFC000  }
0x38: {  	[spmem:s10] =	stream.linear.scatter [tilespmem:s20], [sflag:$0x3], $0x4000, $0x38;
	[tilespmem:$0x1E400] =	vst v63  }
0x39: {  	_ =	swait.ge [sflag:s16], $0x4000  }
0x3a: {  	[sflag:s16] =	ssyncset.done $0x0  }
0x3b: {  	[sflag:s16] =	ssyncadd.s32 $0xFFFFC000  }
0x3c: {  	[spmem:s11] =	stream.linear.scatter [tilespmem:s20], [sflag:$0x3], $0x3C00, $0x38;
	[tilespmem:$0x1E400] =	vst v63  }
0x3d: {  	_ =	swait.ge [sflag:s16], $0x3C00  }
0x3e: {  	[sflag:s16] =	ssyncset.done $0x0  }
0x3f: {  	[sflag:s16] =	ssyncadd.s32 $0xFFFFC400  }
0x40: {  	s28 =	simm.s32 $0x80;
	[bflag:$0x0] =	sbarrier.arrive $0xFFFF  }
0x41: {  	[tilespmem:s20], [sflag:$0x1] =	stream.indirect.gather [hbm4b:s1+s18], $0x80, s28, s18, $0xb8;
	[tilespmem:$0x1E400] =	vst v63  }
0x42: {  	_ =	swait.ge [sflag:s21], $0x4000  }
0x43: {  	[sflag:s21] =	ssyncset.done $0x0  }
0x44: {  	s28 =	simm.s32 $0x1400;
	[sflag:s21] =	ssyncadd.s32 $0xFFFFC000  }
0x45: {  	[spmem:s3] =	stream.indirect.scatter.add.f32 [tilespmem:s19], [sflag:$0x3], $0x80, s28, s18, $0xb8;
	[tilespmem:$0x1E400] =	vst v63  }
0x46: {  	_ =	swait.ge [sflag:s16], $0x4000  }
0x47: {  	[sflag:s16] =	ssyncset.done $0x0  }
0x48: {  	s28 =	simm.s32 $0x100;
	[sflag:s16] =	ssyncadd.s32 $0xFFFFC000  }
0x49: {  	[tilespmem:s19], [sflag:$0x2] =	stream.indirect.gather [hbm4b:s1+s18], $0x80, s28, s18, $0xb8;
	[tilespmem:$0x1E400] =	vst v63  }
0x4a: {  	_ =	swait.ge [sflag:s22], $0x4000  }
0x4b: {  	[sflag:s22] =	ssyncset.done $0x0  }
0x4c: {  	s28 =	simm.s32 $0x1480;
	[sflag:s22] =	ssyncadd.s32 $0xFFFFC000  }
0x4d: {  	[spmem:s3] =	stream.indirect.scatter.add.f32 [tilespmem:s20], [sflag:$0x3], $0x80, s28, s18, $0xb8;
	[tilespmem:$0x1E400] =	vst v63  }
0x4e: {  	_ =	swait.ge [sflag:s16], $0x4000  }
0x4f: {  	s29 =	simm.s32 $0x800;
	s28 =	simm.s32 $0x100;
	[sflag:s16] =	ssyncset.done $0x0  }
.LBB2_4:
0x50: {  	s30 =	sadd.s32 $0x80, s28  }
0x51: {  	[sflag:s16] =	ssyncadd.s32 $0xFFFFC000;
	s31 =	smov.u32 s29;
	s0 =	sadd.s32 $0x400, s29  }
0x52: {  	[tilespmem:s20], [sflag:$0x1] =	stream.indirect.gather [hbm4b:s1+s18], $0x80, s30, s18, $0xb8;
	[tilespmem:$0x1E400] =	vst v63  }
0x53: {  	p0 =	sne.s32 s29, $0x4800;
	_ =	swait.ge [sflag:s21], $0x4000  }
0x54: {  	[sflag:s21] =	ssyncset.done $0x0  }
0x55: {  	s29 =	sadd.s32 $0x1400, s28;
	[sflag:s21] =	ssyncadd.s32 $0xFFFFC000  }
0x56: {  	[spmem:s3] =	stream.indirect.scatter.add.f32 [tilespmem:s19], [sflag:$0x3], $0x80, s29, s18, $0xb8;
	[tilespmem:$0x1E400] =	vst v63  }
0x57: {  	_ =	swait.ge [sflag:s16], $0x4000  }
0x58: {  	[sflag:s16] =	ssyncset.done $0x0  }
0x59: {  	s29 =	sadd.s32 $0x100, s28;
	[sflag:s16] =	ssyncadd.s32 $0xFFFFC000  }
0x5a: {  	[tilespmem:s19], [sflag:$0x2] =	stream.indirect.gather [hbm4b:s1+s18], $0x80, s29, s18, $0xb8;
	[tilespmem:$0x1E400] =	vst v63  }
0x5b: {  	_ =	swait.ge [sflag:s22], $0x4000  }
.Ltmp1:
0x5c: {  	[sflag:s22] =	ssyncset.done $0x0;
	(pc) =	sbr.rel @p0 .LBB2_4-.Ltmp1, $4  }
0x5d: {  	s28 =	sadd.s32 $0x1480, s28;
	[sflag:s22] =	ssyncadd.s32 $0xFFFFC000  }
0x5e: {  	[spmem:s3] =	stream.indirect.scatter.add.f32 [tilespmem:s20], [sflag:$0x3], $0x80, s28, s18, $0xb8;
	[tilespmem:$0x1E400] =	vst v63  }
0x5f: {  	_ =	swait.ge [sflag:s16], $0x4000  }
0x60: {  	s29 =	smov.u32 s0;
	s28 =	sshra.s32 s31, $0x2;
	[sflag:s16] =	ssyncset.done $0x0  }
0x61: {  	s0 =	sadd.s32 $0x80, s28;
	[sflag:s16] =	ssyncadd.s32 $0xFFFFC000  }
0x62: {  	[tilespmem:s20], [sflag:$0x1] =	stream.indirect.gather [hbm4b:s1+s18], $0x80, s0, s18, $0xb8;
	[tilespmem:$0x1E400] =	vst v63  }
0x63: {  	_ =	swait.ge [sflag:s21], $0x4000  }
0x64: {  	[sflag:s21] =	ssyncset.done $0x0  }
0x65: {  	s30 =	sadd.s32 $0x1400, s28;
	[sflag:s21] =	ssyncadd.s32 $0xFFFFC000  }
0x66: {  	[spmem:s3] =	stream.indirect.scatter.add.f32 [tilespmem:s19], [sflag:$0x3], $0x80, s30, s18, $0xb8;
	[tilespmem:$0x1E400] =	vst v63  }
0x67: {  	_ =	swait.ge [sflag:s16], $0x4000  }
0x68: {  	[sflag:s16] =	ssyncset.done $0x0  }
0x69: {  	s31 =	sadd.s32 $0x100, s28;
	[sflag:s16] =	ssyncadd.s32 $0xFFFFC000  }
0x6a: {  	[tilespmem:s19], [sflag:$0x2] =	stream.indirect.gather [hbm4b:s1+s18], $0x80, s31, s18, $0xb8;
	[tilespmem:$0x1E400] =	vst v63  }
0x6b: {  	_ =	swait.ge [sflag:s22], $0x4000  }
0x6c: {  	[sflag:s22] =	ssyncset.done $0x0  }
0x6d: {  	s30 =	sadd.s32 $0x1480, s28;
	[sflag:s22] =	ssyncadd.s32 $0xFFFFC000  }
0x6e: {  	[spmem:s3] =	stream.indirect.scatter.add.f32 [tilespmem:s20], [sflag:$0x3], $0x80, s30, s18, $0xb8;
	[tilespmem:$0x1E400] =	vst v63  }
0x6f: {  	_ =	swait.ge [sflag:s16], $0x4000  }
0x70: {  	[sflag:s16] =	ssyncset.done $0x0  }
0x71: {  	[sflag:s16] =	ssyncadd.s32 $0xFFFFC000  }
0x72: {  	[tilespmem:s20], [sflag:$0x1] =	stream.indirect.gather [hbm4b:s1+s18], $0x80, s23, s18, $0xb8;
	[tilespmem:$0x1E400] =	vst v63  }
0x73: {  	_ =	swait.ge [sflag:s21], $0x4000  }
0x74: {  	[sflag:s21] =	ssyncset.done $0x0  }
0x75: {  	[sflag:s21] =	ssyncadd.s32 $0xFFFFC000  }
0x76: {  	[spmem:s3] =	stream.indirect.scatter.add.f32 [tilespmem:s19], [sflag:$0x3], $0x80, s24, s18, $0xb8;
	[tilespmem:$0x1E400] =	vst v63  }
0x77: {  	_ =	swait.ge [sflag:s16], $0x4000  }
0x78: {  	[sflag:s16] =	ssyncset.done $0x0  }
0x79: {  	[sflag:s16] =	ssyncadd.s32 $0xFFFFC000  }
0x7a: {  	_ =	swait.ge [sflag:s22], $0x4000  }
0x7b: {  	[sflag:s22] =	ssyncset.done $0x0  }
0x7c: {  	[sflag:s22] =	ssyncadd.s32 $0xFFFFC000  }
0x7d: {  	[spmem:s3] =	stream.indirect.scatter.add.f32 [tilespmem:s20], [sflag:$0x3], $0x80, s25, s18, $0xb8;
	[tilespmem:$0x1E400] =	vst v63  }
0x7e: {  	_ =	swait.ge [sflag:s16], $0x4000  }
0x7f: {  	[sflag:s16] =	ssyncset.done $0x0  }
0x80: {  	s31 =	simm.s32 $0x0;
	[sflag:s16] =	ssyncadd.s32 $0xFFFFC000  }
0x81: {  	[tilespmem:s31], [sflag:$0x3] =	stream.linear.gather [hbm4b:s12+s31], $0x1400, $0x38;
	[tilespmem:$0x1E400] =	vst v63  }
0x82: {  	_ =	swait.ge [sflag:s16], $0x1400  }
0x83: {  	[sflag:s16] =	ssyncset.done $0x0  }
0x84: {  	[sflag:s16] =	ssyncadd.s32 $0xFFFFEC00  }
0x85: {  	[tilespmem:s17], [sflag:$0x3] =	stream.linear.gather [hbm4b:s13+s31], $0x1400, $0x38;
	[tilespmem:$0x1E400] =	vst v63  }
0x86: {  	_ =	swait.ge [sflag:s16], $0x1400  }
0x87: {  	[sflag:s16] =	ssyncset.done $0x0  }
0x88: {  	[sflag:s16] =	ssyncadd.s32 $0xFFFFEC00  }
0x89: {  	[tilespmem:s20], [sflag:$0x1] =	stream.indirect.gather [hbm4b:s1+s18], $0x80, s31, s18, $0xb8;
	[tilespmem:$0x1E400] =	vst v63  }
0x8a: {  	s30 =	simm.s32 $0x80  }
0x8b: {  	[tilespmem:s19], [sflag:$0x2] =	stream.indirect.gather [hbm4b:s1+s18], $0x80, s30, s18, $0xb8;
	[tilespmem:$0x1E400] =	vst v63  }
0x8c: {  	_ =	swait.ge [sflag:s22], $0x4000  }
0x8d: {  	[sflag:s22] =	ssyncset.done $0x0  }
0x8e: {  	s31 =	simm.s32 $0x1400;
	[sflag:s22] =	ssyncadd.s32 $0xFFFFC000  }
0x8f: {  	[spmem:s3] =	stream.indirect.scatter.add.f32 [tilespmem:s20], [sflag:$0x3], $0x80, s31, s18, $0xb8;
	[tilespmem:$0x1E400] =	vst v63  }
0x90: {  	_ =	swait.ge [sflag:s16], $0x4000  }
0x91: {  	[sflag:s16] =	ssyncset.done $0x0  }
0x92: {  	s30 =	simm.s32 $0x100;
	[sflag:s16] =	ssyncadd.s32 $0xFFFFC000  }
0x93: {  	[tilespmem:s20], [sflag:$0x1] =	stream.indirect.gather [hbm4b:s1+s18], $0x80, s30, s18, $0xb8;
	[tilespmem:$0x1E400] =	vst v63  }
0x94: {  	_ =	swait.ge [sflag:s21], $0x4000  }
0x95: {  	[sflag:s21] =	ssyncset.done $0x0  }
0x96: {  	s31 =	simm.s32 $0x1480;
	[sflag:s21] =	ssyncadd.s32 $0xFFFFC000  }
0x97: {  	[spmem:s3] =	stream.indirect.scatter.add.f32 [tilespmem:s19], [sflag:$0x3], $0x80, s31, s18, $0xb8;
	[tilespmem:$0x1E400] =	vst v63  }
0x98: {  	_ =	swait.ge [sflag:s16], $0x4000  }
0x99: {  	s29 =	simm.s32 $0x800;
	s28 =	simm.s32 $0x100;
	[sflag:s16] =	ssyncset.done $0x0  }
.LBB2_6:
0x9a: {  	s0 =	sadd.s32 $0x80, s28  }
0x9b: {  	[sflag:s16] =	ssyncadd.s32 $0xFFFFC000;
	s30 =	smov.u32 s29;
	s31 =	sadd.s32 $0x400, s29  }
0x9c: {  	[tilespmem:s19], [sflag:$0x2] =	stream.indirect.gather [hbm4b:s1+s18], $0x80, s0, s18, $0xb8;
	[tilespmem:$0x1E400] =	vst v63  }
0x9d: {  	p0 =	sne.s32 s29, $0x4800;
	_ =	swait.ge [sflag:s22], $0x4000  }
0x9e: {  	[sflag:s22] =	ssyncset.done $0x0  }
0x9f: {  	s0 =	sadd.s32 $0x1400, s28;
	[sflag:s22] =	ssyncadd.s32 $0xFFFFC000  }
0xa0: {  	[spmem:s3] =	stream.indirect.scatter.add.f32 [tilespmem:s20], [sflag:$0x3], $0x80, s0, s18, $0xb8;
	[tilespmem:$0x1E400] =	vst v63  }
0xa1: {  	_ =	swait.ge [sflag:s16], $0x4000  }
0xa2: {  	[sflag:s16] =	ssyncset.done $0x0  }
0xa3: {  	s0 =	sadd.s32 $0x100, s28;
	[sflag:s16] =	ssyncadd.s32 $0xFFFFC000  }
0xa4: {  	[tilespmem:s20], [sflag:$0x1] =	stream.indirect.gather [hbm4b:s1+s18], $0x80, s0, s18, $0xb8;
	[tilespmem:$0x1E400] =	vst v63  }
0xa5: {  	_ =	swait.ge [sflag:s21], $0x4000  }
.Ltmp2:
0xa6: {  	[sflag:s21] =	ssyncset.done $0x0;
	(pc) =	sbr.rel @p0 .LBB2_6-.Ltmp2, $4  }
0xa7: {  	s0 =	sadd.s32 $0x1480, s28;
	[sflag:s21] =	ssyncadd.s32 $0xFFFFC000  }
0xa8: {  	[spmem:s3] =	stream.indirect.scatter.add.f32 [tilespmem:s19], [sflag:$0x3], $0x80, s0, s18, $0xb8;
	[tilespmem:$0x1E400] =	vst v63  }
0xa9: {  	_ =	swait.ge [sflag:s16], $0x4000  }
0xaa: {  	s29 =	smov.u32 s31;
	s28 =	sshra.s32 s30, $0x2;
	[sflag:s16] =	ssyncset.done $0x0  }
0xab: {  	s0 =	sadd.s32 $0x80, s28;
	[sflag:s16] =	ssyncadd.s32 $0xFFFFC000  }
0xac: {  	[tilespmem:s19], [sflag:$0x2] =	stream.indirect.gather [hbm4b:s1+s18], $0x80, s0, s18, $0xb8;
	[tilespmem:$0x1E400] =	vst v63  }
0xad: {  	_ =	swait.ge [sflag:s22], $0x4000  }
0xae: {  	[sflag:s22] =	ssyncset.done $0x0  }
0xaf: {  	s30 =	sadd.s32 $0x1400, s28;
	[sflag:s22] =	ssyncadd.s32 $0xFFFFC000  }
0xb0: {  	[spmem:s3] =	stream.indirect.scatter.add.f32 [tilespmem:s20], [sflag:$0x3], $0x80, s30, s18, $0xb8;
	[tilespmem:$0x1E400] =	vst v63  }
0xb1: {  	_ =	swait.ge [sflag:s16], $0x4000  }
0xb2: {  	[sflag:s16] =	ssyncset.done $0x0  }
0xb3: {  	s31 =	sadd.s32 $0x100, s28;
	[sflag:s16] =	ssyncadd.s32 $0xFFFFC000  }
0xb4: {  	[tilespmem:s20], [sflag:$0x1] =	stream.indirect.gather [hbm4b:s1+s18], $0x80, s31, s18, $0xb8;
	[tilespmem:$0x1E400] =	vst v63  }
0xb5: {  	_ =	swait.ge [sflag:s21], $0x4000  }
0xb6: {  	[sflag:s21] =	ssyncset.done $0x0  }
0xb7: {  	s29 =	sadd.s32 $0x1480, s28;
	[sflag:s21] =	ssyncadd.s32 $0xFFFFC000  }
0xb8: {  	[spmem:s3] =	stream.indirect.scatter.add.f32 [tilespmem:s19], [sflag:$0x3], $0x80, s29, s18, $0xb8;
	[tilespmem:$0x1E400] =	vst v63  }
0xb9: {  	_ =	swait.ge [sflag:s16], $0x4000  }
0xba: {  	[sflag:s16] =	ssyncset.done $0x0  }
0xbb: {  	[sflag:s16] =	ssyncadd.s32 $0xFFFFC000  }
0xbc: {  	[tilespmem:s19], [sflag:$0x2] =	stream.indirect.gather [hbm4b:s1+s18], $0x80, s23, s18, $0xb8;
	[tilespmem:$0x1E400] =	vst v63  }
0xbd: {  	_ =	swait.ge [sflag:s22], $0x4000  }
0xbe: {  	[sflag:s22] =	ssyncset.done $0x0  }
0xbf: {  	[sflag:s22] =	ssyncadd.s32 $0xFFFFC000  }
0xc0: {  	[spmem:s3] =	stream.indirect.scatter.add.f32 [tilespmem:s20], [sflag:$0x3], $0x80, s24, s18, $0xb8;
	[tilespmem:$0x1E400] =	vst v63  }
0xc1: {  	_ =	swait.ge [sflag:s16], $0x4000  }
0xc2: {  	[sflag:s16] =	ssyncset.done $0x0  }
0xc3: {  	[sflag:s16] =	ssyncadd.s32 $0xFFFFC000  }
0xc4: {  	_ =	swait.ge [sflag:s21], $0x4000  }
0xc5: {  	[sflag:s21] =	ssyncset.done $0x0  }
0xc6: {  	[sflag:s21] =	ssyncadd.s32 $0xFFFFC000  }
0xc7: {  	[spmem:s3] =	stream.indirect.scatter.add.f32 [tilespmem:s19], [sflag:$0x3], $0x80, s25, s18, $0xb8;
	[tilespmem:$0x1E400] =	vst v63  }
0xc8: {  	_ =	swait.ge [sflag:s16], $0x4000  }
0xc9: {  	s26 =	sadd.s32 $0x1, s26;
	s30 =	sshll.u32 s2, $0x6;
	[sflag:s16] =	ssyncset.done $0x0  }
0xca: {  	p0 =	sne.s32 s26, s15;
	s0 =	sor.u32 $0x1C03, s30;
	[sflag:s16] =	ssyncadd.s32 $0xFFFFC000  }
.Ltmp3:
0xcb: {  	s31 =	sshrl.u32 s6, $0x3;
	[bflag:$0x0] =	sbarrier.arrive $0xFFFF;
	(pc) =	sbr.rel @p0 .LBB2_1-.Ltmp3, $4  }
0xcc: {  	[hbm:s14], [sflag:s0] =	dma.local [spmem:s31], $0x2780  }
0xcd: {  	_ =	swait.ge [sflag:s16], $0x2780  }
0xce: {  	[sflag:s16] =	ssyncset.done $0x0  }
0xcf: {  	[sflag:s16] =	ssyncadd.s32 $0xFFFFD880  }
0xd0: {  	_ =	sfence.sel $0x180000  }
0xd1: {  	[bflag:$0x0] =	sbarrier.arrive $0xFFFF  }
0xd2: {  	_ =	strace $0x90000047  }
0xd3: {  	[bflag:$0x2] =	sbarrier.arrive $0xFFFF  }
0xd4: {  	p0 =	sne.s32 s2, $0x0;
	s0 =	rddreg [dreg:$0x3]  }
0xd5: {  	s0 =	sadd.s32 @!p0 $0x100000, s0  }
0xd6: {  	[sflag:s0] =	ssyncadd.tile.s32 @!p0 $0x1;
	_ =	shalt  }
.Lfunc_end2:
_tile_overlayer_lowered:
.L_overlay_start_2:
0xd7: {  	(tag) =	ssettag $0x2  }
0xd8: {  	s0 =	rddreg [dreg:$0x0];
	s2 =	stileid.u32  }
0xd9: {  	s1 =	rddreg [dreg:$0x1];
	p0 =	sne.s32 s2, $0x0  }
0xda: {  	s3 =	rddreg [dreg:$0x2];
	[bflag:$0x3] =	sbarrier.arrive $0xFFFF;
	s2 =	simm.s32 @!p0 $0x1C03  }
0xdb: {  	[timem:s3], [sflag:s2] =	dma.local @!p0 [hbm:s0], s1  }
0xdc: {  	s0 =	simm.s32 @!p0 $0x3  }
0xdd: {  	_ =	swait.ge @!p0 [sflag:s0], s1  }
0xde: {  	s1 =	ssub.s32 @!p0 $0x0, s1;
	[sflag:s0] =	ssyncset.done @!p0 $0x0  }
0xdf: {  	[sflag:s0] =	ssyncadd.s32 @!p0 s1  }
0xe0: {  	[bflag:$0x3] =	sbarrier.arrive $0xFFFF  }
0xe1: {  	_ =	shalt  }

</sc_bundles>
